<compile_context>
chip_gen: v7x
topology: tpu7x:2x2x1
jax: 0.10.2.dev20260603
libtpu: 0.0.44.dev20260713+nightly
codegen_flags: <defaults>
</compile_context>

<pallas_src>
import functools

import jax
import jax.numpy as jnp
from jax import lax
from jax.experimental import pallas as pl
from jax.experimental.pallas import tpu as pltpu
from jax.experimental.pallas import tpu_sc as plsc

D_DIM = 64
BATCH = 4096
HIST = 50

NC = 2
NS = 16
NW = NC * NS
BB = BATCH // NW
L = 16
NB = 5
NT = HIST // NB

_mesh = plsc.VectorSubcoreMesh(core_axis_name="c", subcore_axis_name="s")


@functools.partial(
    pl.kernel,
    out_type=jax.ShapeDtypeStruct((HIST, 8, NW, 1024), jnp.float32),
    mesh=_mesh,
    scratch_types=(
        [pltpu.VMEM((HIST, BB), jnp.int32)]
        + [pltpu.VMEM((BB, D_DIM), jnp.float32) for _ in range(NB)]
        + [pltpu.VMEM((8, 1024), jnp.float32) for _ in range(NB)]
        + [pltpu.SemaphoreType.DMA for _ in range(2 * NB)]
    ),
    compiler_params=pltpu.CompilerParams(
        use_tc_tiling_on_sc=False, needs_layout_passes=False),
)
def _gather_kernel(xt_hbm, table_hbm, out_hbm, idx_v, *bufs):
    rb = bufs[:NB]
    sb = bufs[NB:2 * NB]
    gs = bufs[2 * NB:3 * NB]
    ws = bufs[3 * NB:4 * NB]
    wid = lax.axis_index("s") * NC + lax.axis_index("c")
    pltpu.sync_copy(xt_hbm.at[:, pl.ds(wid * BB, BB)], idx_v)
    iota = lax.iota(jnp.int32, L)
    drow = [2 * k + iota // 8 for k in range(D_DIM // L)]
    dcol = [(iota % 8) * 128 + iota for _ in range(D_DIM // L)]

    def fire_g(h, j):
        pltpu.async_copy(table_hbm.at[idx_v.at[h]], rb[j], gs[j])

    def drain_g(h, j):
        pltpu.make_async_copy(table_hbm.at[idx_v.at[h]], rb[j], gs[j]).wait()

    def fire_w(h, j):
        pltpu.async_copy(sb[j], out_hbm.at[h, :, wid], ws[j])

    def drain_w(h, j):
        pltpu.make_async_copy(sb[j], out_hbm.at[h, :, wid], ws[j]).wait()

    dlo = [iota + L * k for k in range(D_DIM // L)]

    def transpose(j):
        @pl.loop(0, BB // L, unroll=4)
        def _blk(g):
            b0 = g * L
            bvec = iota + b0
            for k in range(D_DIM // L):
                v = plsc.load_gather(rb[j], [bvec, dlo[k]])
                plsc.store_scatter(sb[j], [drow[k], dcol[k] + b0], v)

    for j in range(NB):
        fire_g(j, j)

    @pl.loop(0, NT)
    def _outer(t):
        for j in range(NB):
            h = NB * t + j
            drain_g(h, j)

            @pl.when(t > 0)
            def _():
                drain_w(h - NB, j)

            transpose(j)
            fire_w(h, j)

            @pl.when(t < NT - 1)
            def _():
                fire_g(h + NB, j)

    for j in range(NB):
        drain_w(HIST - NB + j, j)


def kernel(x, item_emb_mat):
    xt = x.T.astype(jnp.int32)
    out_t = _gather_kernel(xt, item_emb_mat)
    out5 = out_t.reshape(HIST, 8, NW, 8, 128)
    return out5.transpose(2, 4, 0, 1, 3).reshape(BATCH, HIST, D_DIM)

# --- scband reference (transcript-rebuilt; emitter-appended) ---
"""Pipeline reference for scband-embedding-model-27032524161479 (READ-ONLY COPY).

The authoritative reference and input builder live on the scoring server;
editing this copy changes nothing except your own understanding.
"""

import jax, jax.numpy as jnp
import numpy as np

I_DIM = 1000000
D_DIM = 64
N_DIM = 200
BATCH = 4096
HIST = 50

def setup_inputs(seed: int = 0) -> dict:
    key = jax.random.key(seed)
    k1, k2 = jax.random.split(key)
    x = jax.random.randint(k1, (BATCH, HIST), 0, I_DIM, dtype=jnp.int64) if jax.config.jax_enable_x64 else jax.random.randint(k1, (BATCH, HIST), 0, I_DIM, dtype=jnp.int32)
    # GlorotNormal-like init for the item embedding table [i_dim+1, d_dim]
    fan_in, fan_out = I_DIM + 1, D_DIM
    std = float(np.sqrt(2.0 / (fan_in + fan_out)))
    item_emb_mat = jax.random.normal(k2, (I_DIM + 1, D_DIM), dtype=jnp.float32) * std
    return {"x": x, "item_emb_mat": item_emb_mat}

def reference(x, item_emb_mat):
    # tf.nn.embedding_lookup(item_emb_mat, x)
    output = jnp.take(item_emb_mat, x, axis=0)
    return output

if __name__ == "__main__":
    import jax
    _d = setup_inputs()
    print(jax.jit(kernel)(*tuple(_d.values())))

</pallas_src>

<mosaic_0001>
#map = affine_map<(d0, d1) -> (0, 0)>
#map1 = affine_map<(d0, d1) -> (0, 0, 0, 0)>
module attributes {stable_mosaic.version = 14 : i64} {
  func.func @_gather_kernel(%arg0: i32, %arg1: i32, %arg2: memref<50x4096xi32, #tpu.memory_space<hbm>>, %arg3: memref<1000001x64xf32, #tpu.memory_space<hbm>>, %arg4: memref<50x8x32x1024xf32, #tpu.memory_space<hbm>>, %arg5: memref<50x128xi32, #tpu.memory_space<vmem>>, %arg6: memref<128x64xf32, #tpu.memory_space<vmem>>, %arg7: memref<128x64xf32, #tpu.memory_space<vmem>>, %arg8: memref<128x64xf32, #tpu.memory_space<vmem>>, %arg9: memref<128x64xf32, #tpu.memory_space<vmem>>, %arg10: memref<128x64xf32, #tpu.memory_space<vmem>>, %arg11: memref<8x1024xf32, #tpu.memory_space<vmem>>, %arg12: memref<8x1024xf32, #tpu.memory_space<vmem>>, %arg13: memref<8x1024xf32, #tpu.memory_space<vmem>>, %arg14: memref<8x1024xf32, #tpu.memory_space<vmem>>, %arg15: memref<8x1024xf32, #tpu.memory_space<vmem>>, %arg16: memref<!tpu.dma_semaphore, #tpu.memory_space<semaphore_mem>>, %arg17: memref<!tpu.dma_semaphore, #tpu.memory_space<semaphore_mem>>, %arg18: memref<!tpu.dma_semaphore, #tpu.memory_space<semaphore_mem>>, %arg19: memref<!tpu.dma_semaphore, #tpu.memory_space<semaphore_mem>>, %arg20: memref<!tpu.dma_semaphore, #tpu.memory_space<semaphore_mem>>, %arg21: memref<!tpu.dma_semaphore, #tpu.memory_space<semaphore_mem>>, %arg22: memref<!tpu.dma_semaphore, #tpu.memory_space<semaphore_mem>>, %arg23: memref<!tpu.dma_semaphore, #tpu.memory_space<semaphore_mem>>, %arg24: memref<!tpu.dma_semaphore, #tpu.memory_space<semaphore_mem>>, %arg25: memref<!tpu.dma_semaphore, #tpu.memory_space<semaphore_mem>>) attributes {dimension_semantics = [#tpu.dimension_semantics<core_parallel>, #tpu.dimension_semantics<subcore_parallel>], iteration_bounds = array<i64: 2, 16>, scalar_prefetch = 0 : i64, scratch_operands = 21 : i64, tpu.core_type = #tpu.core_type<sc_vector_subcore>, window_params = [{transform_indices = #map}, {transform_indices = #map}, {transform_indices = #map1}]} {
    %mul3A = arith.constant 2 : i32
    %mul3A_0 = arith.muli %arg1, %mul3A : i32
    %add3A = arith.addi %mul3A_0, %arg0 : i32
    %mul3A_1 = arith.constant 128 : i32
    %mul3A_2 = arith.muli %add3A, %mul3A_1 : i32
    "tpu.region"() ({
      %run_scoped3A = tpu.sem_alloc : memref<!tpu.dma_semaphore, #tpu.memory_space<semaphore_mem>>
      %dma_start3A_327 = arith.constant 0 : i32
      %dma_start3A_328 = tpu.memref_slice %arg2[%dma_start3A_327, %mul3A_2] : memref<50x4096xi32, #tpu.memory_space<hbm>> -> memref<50x128xi32, #tpu.memory_space<hbm>>
      %dma_start3A_329 = arith.constant 0 : i32
      %dma_start3A_330 = tpu.memref_slice %arg2[%dma_start3A_329, %mul3A_2] : memref<50x4096xi32, #tpu.memory_space<hbm>> -> memref<50x128xi32, #tpu.memory_space<hbm>>
      tpu.enqueue_dma source(%dma_start3A_330 : memref<50x128xi32, #tpu.memory_space<hbm>>) target(%arg5 : memref<50x128xi32, #tpu.memory_space<vmem>>) target_semaphore(%run_scoped3A : memref<!tpu.dma_semaphore, #tpu.memory_space<semaphore_mem>>)
      %dma_wait3A_331 = arith.constant 0 : i32
      %dma_wait3A_332 = tpu.memref_slice %arg2[%dma_wait3A_331, %mul3A_2] : memref<50x4096xi32, #tpu.memory_space<hbm>> -> memref<50x128xi32, #tpu.memory_space<hbm>>
      %dma_wait3A_333 = arith.constant 0 : i32
      %dma_wait3A_334 = tpu.memref_slice %arg2[%dma_wait3A_333, %mul3A_2] : memref<50x4096xi32, #tpu.memory_space<hbm>> -> memref<50x128xi32, #tpu.memory_space<hbm>>
      tpu.wait_dma2 semaphore(%run_scoped3A : memref<!tpu.dma_semaphore, #tpu.memory_space<semaphore_mem>>) src(%dma_wait3A_334 : memref<50x128xi32, #tpu.memory_space<hbm>>) dst(%arg5 : memref<50x128xi32, #tpu.memory_space<vmem>>)
      tpu.yield
    }) : () -> ()
    %iota3A = tpu.iota {dimensions = array<i32: 0>} : vector<16xi32>
    %jit3A = arith.constant 8 : i32
    %div3A = vector.broadcast %jit3A : i32 to vector<16xi32>
    %div3A_3 = arith.divsi %iota3A, %div3A : vector<16xi32>
    %sign3A = arith.constant 0 : i32
    %sign3A_4 = vector.broadcast %sign3A : i32 to vector<16xi32>
    %sign3A_5 = arith.cmpi sgt, %iota3A, %sign3A_4 : vector<16xi32>
    %sign3A_6 = arith.extui %sign3A_5 : vector<16xi1> to vector<16xi32>
    %sign3A_7 = arith.constant 0 : i32
    %sign3A_8 = vector.broadcast %sign3A_7 : i32 to vector<16xi32>
    %sign3A_9 = arith.cmpi slt, %iota3A, %sign3A_8 : vector<16xi32>
    %sign3A_10 = arith.extui %sign3A_9 : vector<16xi1> to vector<16xi32>
    %sign3A_11 = arith.subi %sign3A_6, %sign3A_10 : vector<16xi32>
    %sign3A_12 = arith.constant 0 : i32
    %sign3A_13 = arith.cmpi sgt, %jit3A, %sign3A_12 : i32
    %sign3A_14 = arith.extui %sign3A_13 : i1 to i32
    %sign3A_15 = arith.constant 0 : i32
    %sign3A_16 = arith.cmpi slt, %jit3A, %sign3A_15 : i32
    %sign3A_17 = arith.extui %sign3A_16 : i1 to i32
    %sign3A_18 = arith.subi %sign3A_14, %sign3A_17 : i32
    %ne3A = vector.broadcast %sign3A_18 : i32 to vector<16xi32>
    %ne3A_19 = arith.cmpi ne, %sign3A_11, %ne3A : vector<16xi32>
    %rem3A = vector.broadcast %jit3A : i32 to vector<16xi32>
    %rem3A_20 = arith.remsi %iota3A, %rem3A : vector<16xi32>
    %ne3A_21 = arith.constant 0 : i32
    %ne3A_22 = vector.broadcast %ne3A_21 : i32 to vector<16xi32>
    %ne3A_23 = arith.cmpi ne, %rem3A_20, %ne3A_22 : vector<16xi32>
    %and3A = arith.andi %ne3A_19, %ne3A_23 : vector<16xi1>
    %sub3A = arith.constant 1 : i32
    %sub3A_24 = vector.broadcast %sub3A : i32 to vector<16xi32>
    %sub3A_25 = arith.subi %div3A_3, %sub3A_24 : vector<16xi32>
    %select_n3A = arith.select %and3A, %sub3A_25, %div3A_3 : vector<16xi1>, vector<16xi32>
    %add3A_26 = arith.constant 0 : i32
    %add3A_27 = vector.broadcast %add3A_26 : i32 to vector<16xi32>
    %add3A_28 = arith.addi %add3A_27, %select_n3A : vector<16xi32>
    %jit3A_29 = arith.constant 8 : i32
    %div3A_30 = vector.broadcast %jit3A_29 : i32 to vector<16xi32>
    %div3A_31 = arith.divsi %iota3A, %div3A_30 : vector<16xi32>
    %sign3A_32 = arith.constant 0 : i32
    %sign3A_33 = vector.broadcast %sign3A_32 : i32 to vector<16xi32>
    %sign3A_34 = arith.cmpi sgt, %iota3A, %sign3A_33 : vector<16xi32>
    %sign3A_35 = arith.extui %sign3A_34 : vector<16xi1> to vector<16xi32>
    %sign3A_36 = arith.constant 0 : i32
    %sign3A_37 = vector.broadcast %sign3A_36 : i32 to vector<16xi32>
    %sign3A_38 = arith.cmpi slt, %iota3A, %sign3A_37 : vector<16xi32>
    %sign3A_39 = arith.extui %sign3A_38 : vector<16xi1> to vector<16xi32>
    %sign3A_40 = arith.subi %sign3A_35, %sign3A_39 : vector<16xi32>
    %sign3A_41 = arith.constant 0 : i32
    %sign3A_42 = arith.cmpi sgt, %jit3A_29, %sign3A_41 : i32
    %sign3A_43 = arith.extui %sign3A_42 : i1 to i32
    %sign3A_44 = arith.constant 0 : i32
    %sign3A_45 = arith.cmpi slt, %jit3A_29, %sign3A_44 : i32
    %sign3A_46 = arith.extui %sign3A_45 : i1 to i32
    %sign3A_47 = arith.subi %sign3A_43, %sign3A_46 : i32
    %ne3A_48 = vector.broadcast %sign3A_47 : i32 to vector<16xi32>
    %ne3A_49 = arith.cmpi ne, %sign3A_40, %ne3A_48 : vector<16xi32>
    %rem3A_50 = vector.broadcast %jit3A_29 : i32 to vector<16xi32>
    %rem3A_51 = arith.remsi %iota3A, %rem3A_50 : vector<16xi32>
    %ne3A_52 = arith.constant 0 : i32
    %ne3A_53 = vector.broadcast %ne3A_52 : i32 to vector<16xi32>
    %ne3A_54 = arith.cmpi ne, %rem3A_51, %ne3A_53 : vector<16xi32>
    %and3A_55 = arith.andi %ne3A_49, %ne3A_54 : vector<16xi1>
    %sub3A_56 = arith.constant 1 : i32
    %sub3A_57 = vector.broadcast %sub3A_56 : i32 to vector<16xi32>
    %sub3A_58 = arith.subi %div3A_31, %sub3A_57 : vector<16xi32>
    %select_n3A_59 = arith.select %and3A_55, %sub3A_58, %div3A_31 : vector<16xi1>, vector<16xi32>
    %add3A_60 = arith.constant 2 : i32
    %add3A_61 = vector.broadcast %add3A_60 : i32 to vector<16xi32>
    %add3A_62 = arith.addi %add3A_61, %select_n3A_59 : vector<16xi32>
    %jit3A_63 = arith.constant 8 : i32
    %div3A_64 = vector.broadcast %jit3A_63 : i32 to vector<16xi32>
    %div3A_65 = arith.divsi %iota3A, %div3A_64 : vector<16xi32>
    %sign3A_66 = arith.constant 0 : i32
    %sign3A_67 = vector.broadcast %sign3A_66 : i32 to vector<16xi32>
    %sign3A_68 = arith.cmpi sgt, %iota3A, %sign3A_67 : vector<16xi32>
    %sign3A_69 = arith.extui %sign3A_68 : vector<16xi1> to vector<16xi32>
    %sign3A_70 = arith.constant 0 : i32
    %sign3A_71 = vector.broadcast %sign3A_70 : i32 to vector<16xi32>
    %sign3A_72 = arith.cmpi slt, %iota3A, %sign3A_71 : vector<16xi32>
    %sign3A_73 = arith.extui %sign3A_72 : vector<16xi1> to vector<16xi32>
    %sign3A_74 = arith.subi %sign3A_69, %sign3A_73 : vector<16xi32>
    %sign3A_75 = arith.constant 0 : i32
    %sign3A_76 = arith.cmpi sgt, %jit3A_63, %sign3A_75 : i32
    %sign3A_77 = arith.extui %sign3A_76 : i1 to i32
    %sign3A_78 = arith.constant 0 : i32
    %sign3A_79 = arith.cmpi slt, %jit3A_63, %sign3A_78 : i32
    %sign3A_80 = arith.extui %sign3A_79 : i1 to i32
    %sign3A_81 = arith.subi %sign3A_77, %sign3A_80 : i32
    %ne3A_82 = vector.broadcast %sign3A_81 : i32 to vector<16xi32>
    %ne3A_83 = arith.cmpi ne, %sign3A_74, %ne3A_82 : vector<16xi32>
    %rem3A_84 = vector.broadcast %jit3A_63 : i32 to vector<16xi32>
    %rem3A_85 = arith.remsi %iota3A, %rem3A_84 : vector<16xi32>
    %ne3A_86 = arith.constant 0 : i32
    %ne3A_87 = vector.broadcast %ne3A_86 : i32 to vector<16xi32>
    %ne3A_88 = arith.cmpi ne, %rem3A_85, %ne3A_87 : vector<16xi32>
    %and3A_89 = arith.andi %ne3A_83, %ne3A_88 : vector<16xi1>
    %sub3A_90 = arith.constant 1 : i32
    %sub3A_91 = vector.broadcast %sub3A_90 : i32 to vector<16xi32>
    %sub3A_92 = arith.subi %div3A_65, %sub3A_91 : vector<16xi32>
    %select_n3A_93 = arith.select %and3A_89, %sub3A_92, %div3A_65 : vector<16xi1>, vector<16xi32>
    %add3A_94 = arith.constant 4 : i32
    %add3A_95 = vector.broadcast %add3A_94 : i32 to vector<16xi32>
    %add3A_96 = arith.addi %add3A_95, %select_n3A_93 : vector<16xi32>
    %jit3A_97 = arith.constant 8 : i32
    %div3A_98 = vector.broadcast %jit3A_97 : i32 to vector<16xi32>
    %div3A_99 = arith.divsi %iota3A, %div3A_98 : vector<16xi32>
    %sign3A_100 = arith.constant 0 : i32
    %sign3A_101 = vector.broadcast %sign3A_100 : i32 to vector<16xi32>
    %sign3A_102 = arith.cmpi sgt, %iota3A, %sign3A_101 : vector<16xi32>
    %sign3A_103 = arith.extui %sign3A_102 : vector<16xi1> to vector<16xi32>
    %sign3A_104 = arith.constant 0 : i32
    %sign3A_105 = vector.broadcast %sign3A_104 : i32 to vector<16xi32>
    %sign3A_106 = arith.cmpi slt, %iota3A, %sign3A_105 : vector<16xi32>
    %sign3A_107 = arith.extui %sign3A_106 : vector<16xi1> to vector<16xi32>
    %sign3A_108 = arith.subi %sign3A_103, %sign3A_107 : vector<16xi32>
    %sign3A_109 = arith.constant 0 : i32
    %sign3A_110 = arith.cmpi sgt, %jit3A_97, %sign3A_109 : i32
    %sign3A_111 = arith.extui %sign3A_110 : i1 to i32
    %sign3A_112 = arith.constant 0 : i32
    %sign3A_113 = arith.cmpi slt, %jit3A_97, %sign3A_112 : i32
    %sign3A_114 = arith.extui %sign3A_113 : i1 to i32
    %sign3A_115 = arith.subi %sign3A_111, %sign3A_114 : i32
    %ne3A_116 = vector.broadcast %sign3A_115 : i32 to vector<16xi32>
    %ne3A_117 = arith.cmpi ne, %sign3A_108, %ne3A_116 : vector<16xi32>
    %rem3A_118 = vector.broadcast %jit3A_97 : i32 to vector<16xi32>
    %rem3A_119 = arith.remsi %iota3A, %rem3A_118 : vector<16xi32>
    %ne3A_120 = arith.constant 0 : i32
    %ne3A_121 = vector.broadcast %ne3A_120 : i32 to vector<16xi32>
    %ne3A_122 = arith.cmpi ne, %rem3A_119, %ne3A_121 : vector<16xi32>
    %and3A_123 = arith.andi %ne3A_117, %ne3A_122 : vector<16xi1>
    %sub3A_124 = arith.constant 1 : i32
    %sub3A_125 = vector.broadcast %sub3A_124 : i32 to vector<16xi32>
    %sub3A_126 = arith.subi %div3A_99, %sub3A_125 : vector<16xi32>
    %select_n3A_127 = arith.select %and3A_123, %sub3A_126, %div3A_99 : vector<16xi1>, vector<16xi32>
    %add3A_128 = arith.constant 6 : i32
    %add3A_129 = vector.broadcast %add3A_128 : i32 to vector<16xi32>
    %add3A_130 = arith.addi %add3A_129, %select_n3A_127 : vector<16xi32>
    %jit3A_131 = arith.constant 8 : i32
    %eq3A = arith.constant 0 : i32
    %eq3A_132 = arith.cmpi eq, %jit3A_131, %eq3A : i32
    %jit3A_133 = arith.constant 1 : i32
    %select_n3A_134 = arith.select %eq3A_132, %jit3A_133, %jit3A_131 : i32
    %rem3A_135 = vector.broadcast %select_n3A_134 : i32 to vector<16xi32>
    %rem3A_136 = arith.remsi %iota3A, %rem3A_135 : vector<16xi32>
    %ne3A_137 = arith.constant 0 : i32
    %ne3A_138 = vector.broadcast %ne3A_137 : i32 to vector<16xi32>
    %ne3A_139 = arith.cmpi ne, %rem3A_136, %ne3A_138 : vector<16xi32>
    %lt3A = arith.constant 0 : i32
    %lt3A_140 = vector.broadcast %lt3A : i32 to vector<16xi32>
    %lt3A_141 = arith.cmpi slt, %rem3A_136, %lt3A_140 : vector<16xi32>
    %lt3A_142 = arith.constant 0 : i32
    %lt3A_143 = arith.cmpi slt, %select_n3A_134, %lt3A_142 : i32
    %ne3A_144 = vector.broadcast %lt3A_143 : i1 to vector<16xi1>
    %ne3A_145 = vector.broadcast %ne3A_144 : vector<16xi1> to vector<16xi1>
    %ne3A_146 = arith.xori %lt3A_141, %ne3A_145 : vector<16xi1>
    %and3A_147 = arith.andi %ne3A_146, %ne3A_139 : vector<16xi1>
    %add3A_148 = vector.broadcast %select_n3A_134 : i32 to vector<16xi32>
    %add3A_149 = arith.addi %rem3A_136, %add3A_148 : vector<16xi32>
    %select_n3A_150 = arith.select %and3A_147, %add3A_149, %rem3A_136 : vector<16xi1>, vector<16xi32>
    %mul3A_151 = arith.constant 128 : i32
    %mul3A_152 = vector.broadcast %mul3A_151 : i32 to vector<16xi32>
    %mul3A_153 = arith.muli %select_n3A_150, %mul3A_152 : vector<16xi32>
    %add3A_154 = arith.addi %mul3A_153, %iota3A : vector<16xi32>
    %jit3A_155 = arith.constant 8 : i32
    %eq3A_156 = arith.constant 0 : i32
    %eq3A_157 = arith.cmpi eq, %jit3A_155, %eq3A_156 : i32
    %jit3A_158 = arith.constant 1 : i32
    %select_n3A_159 = arith.select %eq3A_157, %jit3A_158, %jit3A_155 : i32
    %rem3A_160 = vector.broadcast %select_n3A_159 : i32 to vector<16xi32>
    %rem3A_161 = arith.remsi %iota3A, %rem3A_160 : vector<16xi32>
    %ne3A_162 = arith.constant 0 : i32
    %ne3A_163 = vector.broadcast %ne3A_162 : i32 to vector<16xi32>
    %ne3A_164 = arith.cmpi ne, %rem3A_161, %ne3A_163 : vector<16xi32>
    %lt3A_165 = arith.constant 0 : i32
    %lt3A_166 = vector.broadcast %lt3A_165 : i32 to vector<16xi32>
    %lt3A_167 = arith.cmpi slt, %rem3A_161, %lt3A_166 : vector<16xi32>
    %lt3A_168 = arith.constant 0 : i32
    %lt3A_169 = arith.cmpi slt, %select_n3A_159, %lt3A_168 : i32
    %ne3A_170 = vector.broadcast %lt3A_169 : i1 to vector<16xi1>
    %ne3A_171 = vector.broadcast %ne3A_170 : vector<16xi1> to vector<16xi1>
    %ne3A_172 = arith.xori %lt3A_167, %ne3A_171 : vector<16xi1>
    %and3A_173 = arith.andi %ne3A_172, %ne3A_164 : vector<16xi1>
    %add3A_174 = vector.broadcast %select_n3A_159 : i32 to vector<16xi32>
    %add3A_175 = arith.addi %rem3A_161, %add3A_174 : vector<16xi32>
    %select_n3A_176 = arith.select %and3A_173, %add3A_175, %rem3A_161 : vector<16xi1>, vector<16xi32>
    %mul3A_177 = arith.constant 128 : i32
    %mul3A_178 = vector.broadcast %mul3A_177 : i32 to vector<16xi32>
    %mul3A_179 = arith.muli %select_n3A_176, %mul3A_178 : vector<16xi32>
    %add3A_180 = arith.addi %mul3A_179, %iota3A : vector<16xi32>
    %jit3A_181 = arith.constant 8 : i32
    %eq3A_182 = arith.constant 0 : i32
    %eq3A_183 = arith.cmpi eq, %jit3A_181, %eq3A_182 : i32
    %jit3A_184 = arith.constant 1 : i32
    %select_n3A_185 = arith.select %eq3A_183, %jit3A_184, %jit3A_181 : i32
    %rem3A_186 = vector.broadcast %select_n3A_185 : i32 to vector<16xi32>
    %rem3A_187 = arith.remsi %iota3A, %rem3A_186 : vector<16xi32>
    %ne3A_188 = arith.constant 0 : i32
    %ne3A_189 = vector.broadcast %ne3A_188 : i32 to vector<16xi32>
    %ne3A_190 = arith.cmpi ne, %rem3A_187, %ne3A_189 : vector<16xi32>
    %lt3A_191 = arith.constant 0 : i32
    %lt3A_192 = vector.broadcast %lt3A_191 : i32 to vector<16xi32>
    %lt3A_193 = arith.cmpi slt, %rem3A_187, %lt3A_192 : vector<16xi32>
    %lt3A_194 = arith.constant 0 : i32
    %lt3A_195 = arith.cmpi slt, %select_n3A_185, %lt3A_194 : i32
    %ne3A_196 = vector.broadcast %lt3A_195 : i1 to vector<16xi1>
    %ne3A_197 = vector.broadcast %ne3A_196 : vector<16xi1> to vector<16xi1>
    %ne3A_198 = arith.xori %lt3A_193, %ne3A_197 : vector<16xi1>
    %and3A_199 = arith.andi %ne3A_198, %ne3A_190 : vector<16xi1>
    %add3A_200 = vector.broadcast %select_n3A_185 : i32 to vector<16xi32>
    %add3A_201 = arith.addi %rem3A_187, %add3A_200 : vector<16xi32>
    %select_n3A_202 = arith.select %and3A_199, %add3A_201, %rem3A_187 : vector<16xi1>, vector<16xi32>
    %mul3A_203 = arith.constant 128 : i32
    %mul3A_204 = vector.broadcast %mul3A_203 : i32 to vector<16xi32>
    %mul3A_205 = arith.muli %select_n3A_202, %mul3A_204 : vector<16xi32>
    %add3A_206 = arith.addi %mul3A_205, %iota3A : vector<16xi32>
    %jit3A_207 = arith.constant 8 : i32
    %eq3A_208 = arith.constant 0 : i32
    %eq3A_209 = arith.cmpi eq, %jit3A_207, %eq3A_208 : i32
    %jit3A_210 = arith.constant 1 : i32
    %select_n3A_211 = arith.select %eq3A_209, %jit3A_210, %jit3A_207 : i32
    %rem3A_212 = vector.broadcast %select_n3A_211 : i32 to vector<16xi32>
    %rem3A_213 = arith.remsi %iota3A, %rem3A_212 : vector<16xi32>
    %ne3A_214 = arith.constant 0 : i32
    %ne3A_215 = vector.broadcast %ne3A_214 : i32 to vector<16xi32>
    %ne3A_216 = arith.cmpi ne, %rem3A_213, %ne3A_215 : vector<16xi32>
    %lt3A_217 = arith.constant 0 : i32
    %lt3A_218 = vector.broadcast %lt3A_217 : i32 to vector<16xi32>
    %lt3A_219 = arith.cmpi slt, %rem3A_213, %lt3A_218 : vector<16xi32>
    %lt3A_220 = arith.constant 0 : i32
    %lt3A_221 = arith.cmpi slt, %select_n3A_211, %lt3A_220 : i32
    %ne3A_222 = vector.broadcast %lt3A_221 : i1 to vector<16xi1>
    %ne3A_223 = vector.broadcast %ne3A_222 : vector<16xi1> to vector<16xi1>
    %ne3A_224 = arith.xori %lt3A_219, %ne3A_223 : vector<16xi1>
    %and3A_225 = arith.andi %ne3A_224, %ne3A_216 : vector<16xi1>
    %add3A_226 = vector.broadcast %select_n3A_211 : i32 to vector<16xi32>
    %add3A_227 = arith.addi %rem3A_213, %add3A_226 : vector<16xi32>
    %select_n3A_228 = arith.select %and3A_225, %add3A_227, %rem3A_213 : vector<16xi1>, vector<16xi32>
    %mul3A_229 = arith.constant 128 : i32
    %mul3A_230 = vector.broadcast %mul3A_229 : i32 to vector<16xi32>
    %mul3A_231 = arith.muli %select_n3A_228, %mul3A_230 : vector<16xi32>
    %add3A_232 = arith.addi %mul3A_231, %iota3A : vector<16xi32>
    %add3A_233 = arith.constant 0 : i32
    %add3A_234 = vector.broadcast %add3A_233 : i32 to vector<16xi32>
    %add3A_235 = arith.addi %iota3A, %add3A_234 : vector<16xi32>
    %add3A_236 = arith.constant 16 : i32
    %add3A_237 = vector.broadcast %add3A_236 : i32 to vector<16xi32>
    %add3A_238 = arith.addi %iota3A, %add3A_237 : vector<16xi32>
    %add3A_239 = arith.constant 32 : i32
    %add3A_240 = vector.broadcast %add3A_239 : i32 to vector<16xi32>
    %add3A_241 = arith.addi %iota3A, %add3A_240 : vector<16xi32>
    %add3A_242 = arith.constant 48 : i32
    %add3A_243 = vector.broadcast %add3A_242 : i32 to vector<16xi32>
    %add3A_244 = arith.addi %iota3A, %add3A_243 : vector<16xi32>
    %dma_start3A = arith.constant 0 : i32
    %dma_start3A_245 = arith.constant 0 : i32
    %dma_start3A_246 = tpu.memref_slice %arg5[%dma_start3A, %dma_start3A_245] : memref<50x128xi32, #tpu.memory_space<vmem>> -> memref<1x128xi32, #tpu.memory_space<vmem>>
    %dma_start3A_247 = tpu.memref_squeeze %dma_start3A_246 : memref<1x128xi32, #tpu.memory_space<vmem>> -> memref<128xi32, #tpu.memory_space<vmem>>
    %dma_start3A_248 = arith.constant 0 : i32
    %dma_start3A_249 = arith.constant 0 : i32
    %dma_start3A_250 = tpu.memref_slice %arg3[%dma_start3A_248, %dma_start3A_249] : memref<1000001x64xf32, #tpu.memory_space<hbm>> -> memref<1000001x64xf32, #tpu.memory_space<hbm>>
    tpu.enqueue_indirect_dma source(%dma_start3A_250 : memref<1000001x64xf32, #tpu.memory_space<hbm>>) target(%arg6 : memref<128x64xf32, #tpu.memory_space<vmem>>) offsets(%dma_start3A_247 : memref<128xi32, #tpu.memory_space<vmem>>) semaphore(%arg16 : memref<!tpu.dma_semaphore, #tpu.memory_space<semaphore_mem>>)
    %dma_start3A_251 = arith.constant 1 : i32
    %dma_start3A_252 = arith.constant 0 : i32
    %dma_start3A_253 = tpu.memref_slice %arg5[%dma_start3A_251, %dma_start3A_252] : memref<50x128xi32, #tpu.memory_space<vmem>> -> memref<1x128xi32, #tpu.memory_space<vmem>>
    %dma_start3A_254 = tpu.memref_squeeze %dma_start3A_253 : memref<1x128xi32, #tpu.memory_space<vmem>> -> memref<128xi32, #tpu.memory_space<vmem>>
    %dma_start3A_255 = arith.constant 0 : i32
    %dma_start3A_256 = arith.constant 0 : i32
    %dma_start3A_257 = tpu.memref_slice %arg3[%dma_start3A_255, %dma_start3A_256] : memref<1000001x64xf32, #tpu.memory_space<hbm>> -> memref<1000001x64xf32, #tpu.memory_space<hbm>>
    tpu.enqueue_indirect_dma source(%dma_start3A_257 : memref<1000001x64xf32, #tpu.memory_space<hbm>>) target(%arg7 : memref<128x64xf32, #tpu.memory_space<vmem>>) offsets(%dma_start3A_254 : memref<128xi32, #tpu.memory_space<vmem>>) semaphore(%arg17 : memref<!tpu.dma_semaphore, #tpu.memory_space<semaphore_mem>>)
    %dma_start3A_258 = arith.constant 2 : i32
    %dma_start3A_259 = arith.constant 0 : i32
    %dma_start3A_260 = tpu.memref_slice %arg5[%dma_start3A_258, %dma_start3A_259] : memref<50x128xi32, #tpu.memory_space<vmem>> -> memref<1x128xi32, #tpu.memory_space<vmem>>
    %dma_start3A_261 = tpu.memref_squeeze %dma_start3A_260 : memref<1x128xi32, #tpu.memory_space<vmem>> -> memref<128xi32, #tpu.memory_space<vmem>>
    %dma_start3A_262 = arith.constant 0 : i32
    %dma_start3A_263 = arith.constant 0 : i32
    %dma_start3A_264 = tpu.memref_slice %arg3[%dma_start3A_262, %dma_start3A_263] : memref<1000001x64xf32, #tpu.memory_space<hbm>> -> memref<1000001x64xf32, #tpu.memory_space<hbm>>
    tpu.enqueue_indirect_dma source(%dma_start3A_264 : memref<1000001x64xf32, #tpu.memory_space<hbm>>) target(%arg8 : memref<128x64xf32, #tpu.memory_space<vmem>>) offsets(%dma_start3A_261 : memref<128xi32, #tpu.memory_space<vmem>>) semaphore(%arg18 : memref<!tpu.dma_semaphore, #tpu.memory_space<semaphore_mem>>)
    %dma_start3A_265 = arith.constant 3 : i32
    %dma_start3A_266 = arith.constant 0 : i32
    %dma_start3A_267 = tpu.memref_slice %arg5[%dma_start3A_265, %dma_start3A_266] : memref<50x128xi32, #tpu.memory_space<vmem>> -> memref<1x128xi32, #tpu.memory_space<vmem>>
    %dma_start3A_268 = tpu.memref_squeeze %dma_start3A_267 : memref<1x128xi32, #tpu.memory_space<vmem>> -> memref<128xi32, #tpu.memory_space<vmem>>
    %dma_start3A_269 = arith.constant 0 : i32
    %dma_start3A_270 = arith.constant 0 : i32
    %dma_start3A_271 = tpu.memref_slice %arg3[%dma_start3A_269, %dma_start3A_270] : memref<1000001x64xf32, #tpu.memory_space<hbm>> -> memref<1000001x64xf32, #tpu.memory_space<hbm>>
    tpu.enqueue_indirect_dma source(%dma_start3A_271 : memref<1000001x64xf32, #tpu.memory_space<hbm>>) target(%arg9 : memref<128x64xf32, #tpu.memory_space<vmem>>) offsets(%dma_start3A_268 : memref<128xi32, #tpu.memory_space<vmem>>) semaphore(%arg19 : memref<!tpu.dma_semaphore, #tpu.memory_space<semaphore_mem>>)
    %dma_start3A_272 = arith.constant 4 : i32
    %dma_start3A_273 = arith.constant 0 : i32
    %dma_start3A_274 = tpu.memref_slice %arg5[%dma_start3A_272, %dma_start3A_273] : memref<50x128xi32, #tpu.memory_space<vmem>> -> memref<1x128xi32, #tpu.memory_space<vmem>>
    %dma_start3A_275 = tpu.memref_squeeze %dma_start3A_274 : memref<1x128xi32, #tpu.memory_space<vmem>> -> memref<128xi32, #tpu.memory_space<vmem>>
    %dma_start3A_276 = arith.constant 0 : i32
    %dma_start3A_277 = arith.constant 0 : i32
    %dma_start3A_278 = tpu.memref_slice %arg3[%dma_start3A_276, %dma_start3A_277] : memref<1000001x64xf32, #tpu.memory_space<hbm>> -> memref<1000001x64xf32, #tpu.memory_space<hbm>>
    tpu.enqueue_indirect_dma source(%dma_start3A_278 : memref<1000001x64xf32, #tpu.memory_space<hbm>>) target(%arg10 : memref<128x64xf32, #tpu.memory_space<vmem>>) offsets(%dma_start3A_275 : memref<128xi32, #tpu.memory_space<vmem>>) semaphore(%arg20 : memref<!tpu.dma_semaphore, #tpu.memory_space<semaphore_mem>>)
    %scan3A = arith.constant 0 : i32
    %scan3A_279 = arith.constant 10 : i32
    %scan3A_280 = arith.addi %scan3A, %scan3A_279 : i32
    %scan3A_281 = arith.constant 1 : i32
    scf.for %scan3A_327 = %scan3A to %scan3A_280 step %scan3A_281  : i32 {
      %mul3A_328 = arith.constant 1 : i32
      %mul3A_329 = arith.muli %scan3A_327, %mul3A_328 : i32
      %add3A_330 = arith.constant 0 : i32
      %add3A_331 = arith.addi %add3A_330, %mul3A_329 : i32
      %mul3A_332 = arith.constant 5 : i32
      %mul3A_333 = arith.muli %mul3A_332, %add3A_331 : i32
      %add3A_334 = arith.constant 0 : i32
      %add3A_335 = arith.addi %mul3A_333, %add3A_334 : i32
      %dma_wait3A_336 = arith.constant 0 : i32
      %dma_wait3A_337 = tpu.memref_slice %arg5[%add3A_335, %dma_wait3A_336] : memref<50x128xi32, #tpu.memory_space<vmem>> -> memref<1x128xi32, #tpu.memory_space<vmem>>
      %dma_wait3A_338 = tpu.memref_squeeze %dma_wait3A_337 : memref<1x128xi32, #tpu.memory_space<vmem>> -> memref<128xi32, #tpu.memory_space<vmem>>
      %dma_wait3A_339 = arith.constant 0 : i32
      %dma_wait3A_340 = arith.constant 0 : i32
      %dma_wait3A_341 = tpu.memref_slice %arg3[%dma_wait3A_339, %dma_wait3A_340] : memref<1000001x64xf32, #tpu.memory_space<hbm>> -> memref<1000001x64xf32, #tpu.memory_space<hbm>>
      tpu.wait_indirect_dma semaphore(%arg16 : memref<!tpu.dma_semaphore, #tpu.memory_space<semaphore_mem>>) src(%dma_wait3A_341 : memref<1000001x64xf32, #tpu.memory_space<hbm>>) dst(%arg6 : memref<128x64xf32, #tpu.memory_space<vmem>>)
      %gt3A = arith.constant 0 : i32
      %gt3A_342 = arith.cmpi sgt, %add3A_331, %gt3A : i32
      %convert_element_type3A = arith.extui %gt3A_342 : i1 to i32
      %cond3A = arith.constant 0 : i32
      %cond3A_343 = arith.cmpi ne, %convert_element_type3A, %cond3A : i32
      scf.if %cond3A_343 {
        %sub3A_494 = arith.constant 5 : i32
        %sub3A_495 = arith.subi %add3A_335, %sub3A_494 : i32
        %dma_wait3A_496 = arith.constant 0 : i32
        %dma_wait3A_497 = arith.constant 0 : i32
        %dma_wait3A_498 = tpu.memref_slice %arg4[%sub3A_495, %dma_wait3A_496, %add3A, %dma_wait3A_497] : memref<50x8x32x1024xf32, #tpu.memory_space<hbm>> -> memref<1x8x1x1024xf32, #tpu.memory_space<hbm>>
        %dma_wait3A_499 = tpu.memref_squeeze %dma_wait3A_498 : memref<1x8x1x1024xf32, #tpu.memory_space<hbm>> -> memref<8x1024xf32, #tpu.memory_space<hbm>>
        %dma_wait3A_500 = arith.constant 0 : i32
        %dma_wait3A_501 = arith.constant 0 : i32
        %dma_wait3A_502 = tpu.memref_slice %arg4[%sub3A_495, %dma_wait3A_500, %add3A, %dma_wait3A_501] : memref<50x8x32x1024xf32, #tpu.memory_space<hbm>> -> memref<1x8x1x1024xf32, #tpu.memory_space<hbm>>
        %dma_wait3A_503 = tpu.memref_squeeze %dma_wait3A_502 : memref<1x8x1x1024xf32, #tpu.memory_space<hbm>> -> memref<8x1024xf32, #tpu.memory_space<hbm>>
        tpu.wait_dma2 semaphore(%arg21 : memref<!tpu.dma_semaphore, #tpu.memory_space<semaphore_mem>>) src(%arg11 : memref<8x1024xf32, #tpu.memory_space<vmem>>) dst(%dma_wait3A_503 : memref<8x1024xf32, #tpu.memory_space<hbm>>)
      } else {
      }
      %scan3A_344 = arith.constant 0 : i32
      %scan3A_345 = arith.constant 8 : i32
      %scan3A_346 = arith.addi %scan3A_344, %scan3A_345 : i32
      %scan3A_347 = arith.constant 4 : i32
      scf.for %scan3A_494 = %scan3A_344 to %scan3A_346 step %scan3A_347  : i32 {
        %mul3A_495 = arith.constant 1 : i32
        %mul3A_496 = arith.muli %scan3A_494, %mul3A_495 : i32
        %add3A_497 = arith.constant 0 : i32
        %add3A_498 = arith.addi %add3A_497, %mul3A_496 : i32
        %mul3A_499 = arith.constant 16 : i32
        %mul3A_500 = arith.muli %add3A_498, %mul3A_499 : i32
        %add3A_501 = vector.broadcast %mul3A_500 : i32 to vector<16xi32>
        %add3A_502 = arith.addi %iota3A, %add3A_501 : vector<16xi32>
        %gather3A = tpu.vector_load_idx %arg6[%add3A_502, %add3A_235] : memref<128x64xf32, #tpu.memory_space<vmem>>[vector<16xi32>, vector<16xi32>], vector<16xf32>,
        %add3A_503 = vector.broadcast %mul3A_500 : i32 to vector<16xi32>
        %add3A_504 = arith.addi %add3A_154, %add3A_503 : vector<16xi32>
        tpu.vector_store_idx %arg11[%add3A_28, %add3A_504], %gather3A : memref<8x1024xf32, #tpu.memory_space<vmem>>[vector<16xi32>, vector<16xi32>], vector<16xf32>,
        %gather3A_505 = tpu.vector_load_idx %arg6[%add3A_502, %add3A_238] : memref<128x64xf32, #tpu.memory_space<vmem>>[vector<16xi32>, vector<16xi32>], vector<16xf32>,
        %add3A_506 = vector.broadcast %mul3A_500 : i32 to vector<16xi32>
        %add3A_507 = arith.addi %add3A_180, %add3A_506 : vector<16xi32>
        tpu.vector_store_idx %arg11[%add3A_62, %add3A_507], %gather3A_505 : memref<8x1024xf32, #tpu.memory_space<vmem>>[vector<16xi32>, vector<16xi32>], vector<16xf32>,
        %gather3A_508 = tpu.vector_load_idx %arg6[%add3A_502, %add3A_241] : memref<128x64xf32, #tpu.memory_space<vmem>>[vector<16xi32>, vector<16xi32>], vector<16xf32>,
        %add3A_509 = vector.broadcast %mul3A_500 : i32 to vector<16xi32>
        %add3A_510 = arith.addi %add3A_206, %add3A_509 : vector<16xi32>
        tpu.vector_store_idx %arg11[%add3A_96, %add3A_510], %gather3A_508 : memref<8x1024xf32, #tpu.memory_space<vmem>>[vector<16xi32>, vector<16xi32>], vector<16xf32>,
        %gather3A_511 = tpu.vector_load_idx %arg6[%add3A_502, %add3A_244] : memref<128x64xf32, #tpu.memory_space<vmem>>[vector<16xi32>, vector<16xi32>], vector<16xf32>,
        %add3A_512 = vector.broadcast %mul3A_500 : i32 to vector<16xi32>
        %add3A_513 = arith.addi %add3A_232, %add3A_512 : vector<16xi32>
        tpu.vector_store_idx %arg11[%add3A_130, %add3A_513], %gather3A_511 : memref<8x1024xf32, #tpu.memory_space<vmem>>[vector<16xi32>, vector<16xi32>], vector<16xf32>,
        %scan3A_514 = arith.constant 1 : i32
        %scan3A_515 = arith.addi %scan3A_494, %scan3A_514 : i32
        %mul3A_516 = arith.constant 1 : i32
        %mul3A_517 = arith.muli %scan3A_515, %mul3A_516 : i32
        %add3A_518 = arith.constant 0 : i32
        %add3A_519 = arith.addi %add3A_518, %mul3A_517 : i32
        %mul3A_520 = arith.constant 16 : i32
        %mul3A_521 = arith.muli %add3A_519, %mul3A_520 : i32
        %add3A_522 = vector.broadcast %mul3A_521 : i32 to vector<16xi32>
        %add3A_523 = arith.addi %iota3A, %add3A_522 : vector<16xi32>
        %gather3A_524 = tpu.vector_load_idx %arg6[%add3A_523, %add3A_235] : memref<128x64xf32, #tpu.memory_space<vmem>>[vector<16xi32>, vector<16xi32>], vector<16xf32>,
        %add3A_525 = vector.broadcast %mul3A_521 : i32 to vector<16xi32>
        %add3A_526 = arith.addi %add3A_154, %add3A_525 : vector<16xi32>
        tpu.vector_store_idx %arg11[%add3A_28, %add3A_526], %gather3A_524 : memref<8x1024xf32, #tpu.memory_space<vmem>>[vector<16xi32>, vector<16xi32>], vector<16xf32>,
        %gather3A_527 = tpu.vector_load_idx %arg6[%add3A_523, %add3A_238] : memref<128x64xf32, #tpu.memory_space<vmem>>[vector<16xi32>, vector<16xi32>], vector<16xf32>,
        %add3A_528 = vector.broadcast %mul3A_521 : i32 to vector<16xi32>
        %add3A_529 = arith.addi %add3A_180, %add3A_528 : vector<16xi32>
        tpu.vector_store_idx %arg11[%add3A_62, %add3A_529], %gather3A_527 : memref<8x1024xf32, #tpu.memory_space<vmem>>[vector<16xi32>, vector<16xi32>], vector<16xf32>,
        %gather3A_530 = tpu.vector_load_idx %arg6[%add3A_523, %add3A_241] : memref<128x64xf32, #tpu.memory_space<vmem>>[vector<16xi32>, vector<16xi32>], vector<16xf32>,
        %add3A_531 = vector.broadcast %mul3A_521 : i32 to vector<16xi32>
        %add3A_532 = arith.addi %add3A_206, %add3A_531 : vector<16xi32>
        tpu.vector_store_idx %arg11[%add3A_96, %add3A_532], %gather3A_530 : memref<8x1024xf32, #tpu.memory_space<vmem>>[vector<16xi32>, vector<16xi32>], vector<16xf32>,
        %gather3A_533 = tpu.vector_load_idx %arg6[%add3A_523, %add3A_244] : memref<128x64xf32, #tpu.memory_space<vmem>>[vector<16xi32>, vector<16xi32>], vector<16xf32>,
        %add3A_534 = vector.broadcast %mul3A_521 : i32 to vector<16xi32>
        %add3A_535 = arith.addi %add3A_232, %add3A_534 : vector<16xi32>
        tpu.vector_store_idx %arg11[%add3A_130, %add3A_535], %gather3A_533 : memref<8x1024xf32, #tpu.memory_space<vmem>>[vector<16xi32>, vector<16xi32>], vector<16xf32>,
        %scan3A_536 = arith.constant 2 : i32
        %scan3A_537 = arith.addi %scan3A_494, %scan3A_536 : i32
        %mul3A_538 = arith.constant 1 : i32
        %mul3A_539 = arith.muli %scan3A_537, %mul3A_538 : i32
        %add3A_540 = arith.constant 0 : i32
        %add3A_541 = arith.addi %add3A_540, %mul3A_539 : i32
        %mul3A_542 = arith.constant 16 : i32
        %mul3A_543 = arith.muli %add3A_541, %mul3A_542 : i32
        %add3A_544 = vector.broadcast %mul3A_543 : i32 to vector<16xi32>
        %add3A_545 = arith.addi %iota3A, %add3A_544 : vector<16xi32>
        %gather3A_546 = tpu.vector_load_idx %arg6[%add3A_545, %add3A_235] : memref<128x64xf32, #tpu.memory_space<vmem>>[vector<16xi32>, vector<16xi32>], vector<16xf32>,
        %add3A_547 = vector.broadcast %mul3A_543 : i32 to vector<16xi32>
        %add3A_548 = arith.addi %add3A_154, %add3A_547 : vector<16xi32>
        tpu.vector_store_idx %arg11[%add3A_28, %add3A_548], %gather3A_546 : memref<8x1024xf32, #tpu.memory_space<vmem>>[vector<16xi32>, vector<16xi32>], vector<16xf32>,
        %gather3A_549 = tpu.vector_load_idx %arg6[%add3A_545, %add3A_238] : memref<128x64xf32, #tpu.memory_space<vmem>>[vector<16xi32>, vector<16xi32>], vector<16xf32>,
        %add3A_550 = vector.broadcast %mul3A_543 : i32 to vector<16xi32>
        %add3A_551 = arith.addi %add3A_180, %add3A_550 : vector<16xi32>
        tpu.vector_store_idx %arg11[%add3A_62, %add3A_551], %gather3A_549 : memref<8x1024xf32, #tpu.memory_space<vmem>>[vector<16xi32>, vector<16xi32>], vector<16xf32>,
        %gather3A_552 = tpu.vector_load_idx %arg6[%add3A_545, %add3A_241] : memref<128x64xf32, #tpu.memory_space<vmem>>[vector<16xi32>, vector<16xi32>], vector<16xf32>,
        %add3A_553 = vector.broadcast %mul3A_543 : i32 to vector<16xi32>
        %add3A_554 = arith.addi %add3A_206, %add3A_553 : vector<16xi32>
        tpu.vector_store_idx %arg11[%add3A_96, %add3A_554], %gather3A_552 : memref<8x1024xf32, #tpu.memory_space<vmem>>[vector<16xi32>, vector<16xi32>], vector<16xf32>,
        %gather3A_555 = tpu.vector_load_idx %arg6[%add3A_545, %add3A_244] : memref<128x64xf32, #tpu.memory_space<vmem>>[vector<16xi32>, vector<16xi32>], vector<16xf32>,
        %add3A_556 = vector.broadcast %mul3A_543 : i32 to vector<16xi32>
        %add3A_557 = arith.addi %add3A_232, %add3A_556 : vector<16xi32>
        tpu.vector_store_idx %arg11[%add3A_130, %add3A_557], %gather3A_555 : memref<8x1024xf32, #tpu.memory_space<vmem>>[vector<16xi32>, vector<16xi32>], vector<16xf32>,
        %scan3A_558 = arith.constant 3 : i32
        %scan3A_559 = arith.addi %scan3A_494, %scan3A_558 : i32
        %mul3A_560 = arith.constant 1 : i32
        %mul3A_561 = arith.muli %scan3A_559, %mul3A_560 : i32
        %add3A_562 = arith.constant 0 : i32
        %add3A_563 = arith.addi %add3A_562, %mul3A_561 : i32
        %mul3A_564 = arith.constant 16 : i32
        %mul3A_565 = arith.muli %add3A_563, %mul3A_564 : i32
        %add3A_566 = vector.broadcast %mul3A_565 : i32 to vector<16xi32>
        %add3A_567 = arith.addi %iota3A, %add3A_566 : vector<16xi32>
        %gather3A_568 = tpu.vector_load_idx %arg6[%add3A_567, %add3A_235] : memref<128x64xf32, #tpu.memory_space<vmem>>[vector<16xi32>, vector<16xi32>], vector<16xf32>,
        %add3A_569 = vector.broadcast %mul3A_565 : i32 to vector<16xi32>
        %add3A_570 = arith.addi %add3A_154, %add3A_569 : vector<16xi32>
        tpu.vector_store_idx %arg11[%add3A_28, %add3A_570], %gather3A_568 : memref<8x1024xf32, #tpu.memory_space<vmem>>[vector<16xi32>, vector<16xi32>], vector<16xf32>,
        %gather3A_571 = tpu.vector_load_idx %arg6[%add3A_567, %add3A_238] : memref<128x64xf32, #tpu.memory_space<vmem>>[vector<16xi32>, vector<16xi32>], vector<16xf32>,
        %add3A_572 = vector.broadcast %mul3A_565 : i32 to vector<16xi32>
        %add3A_573 = arith.addi %add3A_180, %add3A_572 : vector<16xi32>
        tpu.vector_store_idx %arg11[%add3A_62, %add3A_573], %gather3A_571 : memref<8x1024xf32, #tpu.memory_space<vmem>>[vector<16xi32>, vector<16xi32>], vector<16xf32>,
        %gather3A_574 = tpu.vector_load_idx %arg6[%add3A_567, %add3A_241] : memref<128x64xf32, #tpu.memory_space<vmem>>[vector<16xi32>, vector<16xi32>], vector<16xf32>,
        %add3A_575 = vector.broadcast %mul3A_565 : i32 to vector<16xi32>
        %add3A_576 = arith.addi %add3A_206, %add3A_575 : vector<16xi32>
        tpu.vector_store_idx %arg11[%add3A_96, %add3A_576], %gather3A_574 : memref<8x1024xf32, #tpu.memory_space<vmem>>[vector<16xi32>, vector<16xi32>], vector<16xf32>,
        %gather3A_577 = tpu.vector_load_idx %arg6[%add3A_567, %add3A_244] : memref<128x64xf32, #tpu.memory_space<vmem>>[vector<16xi32>, vector<16xi32>], vector<16xf32>,
        %add3A_578 = vector.broadcast %mul3A_565 : i32 to vector<16xi32>
        %add3A_579 = arith.addi %add3A_232, %add3A_578 : vector<16xi32>
        tpu.vector_store_idx %arg11[%add3A_130, %add3A_579], %gather3A_577 : memref<8x1024xf32, #tpu.memory_space<vmem>>[vector<16xi32>, vector<16xi32>], vector<16xf32>,
      }
      %scan3A_348 = arith.constant 8 : i32
      %dma_start3A_349 = arith.constant 0 : i32
      %dma_start3A_350 = arith.constant 0 : i32
      %dma_start3A_351 = tpu.memref_slice %arg4[%add3A_335, %dma_start3A_349, %add3A, %dma_start3A_350] : memref<50x8x32x1024xf32, #tpu.memory_space<hbm>> -> memref<1x8x1x1024xf32, #tpu.memory_space<hbm>>
      %dma_start3A_352 = tpu.memref_squeeze %dma_start3A_351 : memref<1x8x1x1024xf32, #tpu.memory_space<hbm>> -> memref<8x1024xf32, #tpu.memory_space<hbm>>
      %dma_start3A_353 = arith.constant 0 : i32
      %dma_start3A_354 = arith.constant 0 : i32
      %dma_start3A_355 = tpu.memref_slice %arg4[%add3A_335, %dma_start3A_353, %add3A, %dma_start3A_354] : memref<50x8x32x1024xf32, #tpu.memory_space<hbm>> -> memref<1x8x1x1024xf32, #tpu.memory_space<hbm>>
      %dma_start3A_356 = tpu.memref_squeeze %dma_start3A_355 : memref<1x8x1x1024xf32, #tpu.memory_space<hbm>> -> memref<8x1024xf32, #tpu.memory_space<hbm>>
      tpu.enqueue_dma source(%arg11 : memref<8x1024xf32, #tpu.memory_space<vmem>>) target(%dma_start3A_356 : memref<8x1024xf32, #tpu.memory_space<hbm>>) target_semaphore(%arg21 : memref<!tpu.dma_semaphore, #tpu.memory_space<semaphore_mem>>)
      %lt3A_357 = arith.constant 9 : i32
      %lt3A_358 = arith.cmpi slt, %add3A_331, %lt3A_357 : i32
      %convert_element_type3A_359 = arith.extui %lt3A_358 : i1 to i32
      %cond3A_360 = arith.constant 0 : i32
      %cond3A_361 = arith.cmpi ne, %convert_element_type3A_359, %cond3A_360 : i32
      scf.if %cond3A_361 {
        %add3A_494 = arith.constant 5 : i32
        %add3A_495 = arith.addi %add3A_335, %add3A_494 : i32
        %dma_start3A_496 = arith.constant 0 : i32
        %dma_start3A_497 = tpu.memref_slice %arg5[%add3A_495, %dma_start3A_496] : memref<50x128xi32, #tpu.memory_space<vmem>> -> memref<1x128xi32, #tpu.memory_space<vmem>>
        %dma_start3A_498 = tpu.memref_squeeze %dma_start3A_497 : memref<1x128xi32, #tpu.memory_space<vmem>> -> memref<128xi32, #tpu.memory_space<vmem>>
        %dma_start3A_499 = arith.constant 0 : i32
        %dma_start3A_500 = arith.constant 0 : i32
        %dma_start3A_501 = tpu.memref_slice %arg3[%dma_start3A_499, %dma_start3A_500] : memref<1000001x64xf32, #tpu.memory_space<hbm>> -> memref<1000001x64xf32, #tpu.memory_space<hbm>>
        tpu.enqueue_indirect_dma source(%dma_start3A_501 : memref<1000001x64xf32, #tpu.memory_space<hbm>>) target(%arg6 : memref<128x64xf32, #tpu.memory_space<vmem>>) offsets(%dma_start3A_498 : memref<128xi32, #tpu.memory_space<vmem>>) semaphore(%arg16 : memref<!tpu.dma_semaphore, #tpu.memory_space<semaphore_mem>>)
      } else {
      }
      %mul3A_362 = arith.constant 5 : i32
      %mul3A_363 = arith.muli %mul3A_362, %add3A_331 : i32
      %add3A_364 = arith.constant 1 : i32
      %add3A_365 = arith.addi %mul3A_363, %add3A_364 : i32
      %dma_wait3A_366 = arith.constant 0 : i32
      %dma_wait3A_367 = tpu.memref_slice %arg5[%add3A_365, %dma_wait3A_366] : memref<50x128xi32, #tpu.memory_space<vmem>> -> memref<1x128xi32, #tpu.memory_space<vmem>>
      %dma_wait3A_368 = tpu.memref_squeeze %dma_wait3A_367 : memref<1x128xi32, #tpu.memory_space<vmem>> -> memref<128xi32, #tpu.memory_space<vmem>>
      %dma_wait3A_369 = arith.constant 0 : i32
      %dma_wait3A_370 = arith.constant 0 : i32
      %dma_wait3A_371 = tpu.memref_slice %arg3[%dma_wait3A_369, %dma_wait3A_370] : memref<1000001x64xf32, #tpu.memory_space<hbm>> -> memref<1000001x64xf32, #tpu.memory_space<hbm>>
      tpu.wait_indirect_dma semaphore(%arg17 : memref<!tpu.dma_semaphore, #tpu.memory_space<semaphore_mem>>) src(%dma_wait3A_371 : memref<1000001x64xf32, #tpu.memory_space<hbm>>) dst(%arg7 : memref<128x64xf32, #tpu.memory_space<vmem>>)
      %gt3A_372 = arith.constant 0 : i32
      %gt3A_373 = arith.cmpi sgt, %add3A_331, %gt3A_372 : i32
      %convert_element_type3A_374 = arith.extui %gt3A_373 : i1 to i32
      %cond3A_375 = arith.constant 0 : i32
      %cond3A_376 = arith.cmpi ne, %convert_element_type3A_374, %cond3A_375 : i32
      scf.if %cond3A_376 {
        %sub3A_494 = arith.constant 5 : i32
        %sub3A_495 = arith.subi %add3A_365, %sub3A_494 : i32
        %dma_wait3A_496 = arith.constant 0 : i32
        %dma_wait3A_497 = arith.constant 0 : i32
        %dma_wait3A_498 = tpu.memref_slice %arg4[%sub3A_495, %dma_wait3A_496, %add3A, %dma_wait3A_497] : memref<50x8x32x1024xf32, #tpu.memory_space<hbm>> -> memref<1x8x1x1024xf32, #tpu.memory_space<hbm>>
        %dma_wait3A_499 = tpu.memref_squeeze %dma_wait3A_498 : memref<1x8x1x1024xf32, #tpu.memory_space<hbm>> -> memref<8x1024xf32, #tpu.memory_space<hbm>>
        %dma_wait3A_500 = arith.constant 0 : i32
        %dma_wait3A_501 = arith.constant 0 : i32
        %dma_wait3A_502 = tpu.memref_slice %arg4[%sub3A_495, %dma_wait3A_500, %add3A, %dma_wait3A_501] : memref<50x8x32x1024xf32, #tpu.memory_space<hbm>> -> memref<1x8x1x1024xf32, #tpu.memory_space<hbm>>
        %dma_wait3A_503 = tpu.memref_squeeze %dma_wait3A_502 : memref<1x8x1x1024xf32, #tpu.memory_space<hbm>> -> memref<8x1024xf32, #tpu.memory_space<hbm>>
        tpu.wait_dma2 semaphore(%arg22 : memref<!tpu.dma_semaphore, #tpu.memory_space<semaphore_mem>>) src(%arg12 : memref<8x1024xf32, #tpu.memory_space<vmem>>) dst(%dma_wait3A_503 : memref<8x1024xf32, #tpu.memory_space<hbm>>)
      } else {
      }
      %scan3A_377 = arith.constant 0 : i32
      %scan3A_378 = arith.constant 8 : i32
      %scan3A_379 = arith.addi %scan3A_377, %scan3A_378 : i32
      %scan3A_380 = arith.constant 4 : i32
      scf.for %scan3A_494 = %scan3A_377 to %scan3A_379 step %scan3A_380  : i32 {
        %mul3A_495 = arith.constant 1 : i32
        %mul3A_496 = arith.muli %scan3A_494, %mul3A_495 : i32
        %add3A_497 = arith.constant 0 : i32
        %add3A_498 = arith.addi %add3A_497, %mul3A_496 : i32
        %mul3A_499 = arith.constant 16 : i32
        %mul3A_500 = arith.muli %add3A_498, %mul3A_499 : i32
        %add3A_501 = vector.broadcast %mul3A_500 : i32 to vector<16xi32>
        %add3A_502 = arith.addi %iota3A, %add3A_501 : vector<16xi32>
        %gather3A = tpu.vector_load_idx %arg7[%add3A_502, %add3A_235] : memref<128x64xf32, #tpu.memory_space<vmem>>[vector<16xi32>, vector<16xi32>], vector<16xf32>,
        %add3A_503 = vector.broadcast %mul3A_500 : i32 to vector<16xi32>
        %add3A_504 = arith.addi %add3A_154, %add3A_503 : vector<16xi32>
        tpu.vector_store_idx %arg12[%add3A_28, %add3A_504], %gather3A : memref<8x1024xf32, #tpu.memory_space<vmem>>[vector<16xi32>, vector<16xi32>], vector<16xf32>,
        %gather3A_505 = tpu.vector_load_idx %arg7[%add3A_502, %add3A_238] : memref<128x64xf32, #tpu.memory_space<vmem>>[vector<16xi32>, vector<16xi32>], vector<16xf32>,
        %add3A_506 = vector.broadcast %mul3A_500 : i32 to vector<16xi32>
        %add3A_507 = arith.addi %add3A_180, %add3A_506 : vector<16xi32>
        tpu.vector_store_idx %arg12[%add3A_62, %add3A_507], %gather3A_505 : memref<8x1024xf32, #tpu.memory_space<vmem>>[vector<16xi32>, vector<16xi32>], vector<16xf32>,
        %gather3A_508 = tpu.vector_load_idx %arg7[%add3A_502, %add3A_241] : memref<128x64xf32, #tpu.memory_space<vmem>>[vector<16xi32>, vector<16xi32>], vector<16xf32>,
        %add3A_509 = vector.broadcast %mul3A_500 : i32 to vector<16xi32>
        %add3A_510 = arith.addi %add3A_206, %add3A_509 : vector<16xi32>
        tpu.vector_store_idx %arg12[%add3A_96, %add3A_510], %gather3A_508 : memref<8x1024xf32, #tpu.memory_space<vmem>>[vector<16xi32>, vector<16xi32>], vector<16xf32>,
        %gather3A_511 = tpu.vector_load_idx %arg7[%add3A_502, %add3A_244] : memref<128x64xf32, #tpu.memory_space<vmem>>[vector<16xi32>, vector<16xi32>], vector<16xf32>,
        %add3A_512 = vector.broadcast %mul3A_500 : i32 to vector<16xi32>
        %add3A_513 = arith.addi %add3A_232, %add3A_512 : vector<16xi32>
        tpu.vector_store_idx %arg12[%add3A_130, %add3A_513], %gather3A_511 : memref<8x1024xf32, #tpu.memory_space<vmem>>[vector<16xi32>, vector<16xi32>], vector<16xf32>,
        %scan3A_514 = arith.constant 1 : i32
        %scan3A_515 = arith.addi %scan3A_494, %scan3A_514 : i32
        %mul3A_516 = arith.constant 1 : i32
        %mul3A_517 = arith.muli %scan3A_515, %mul3A_516 : i32
        %add3A_518 = arith.constant 0 : i32
        %add3A_519 = arith.addi %add3A_518, %mul3A_517 : i32
        %mul3A_520 = arith.constant 16 : i32
        %mul3A_521 = arith.muli %add3A_519, %mul3A_520 : i32
        %add3A_522 = vector.broadcast %mul3A_521 : i32 to vector<16xi32>
        %add3A_523 = arith.addi %iota3A, %add3A_522 : vector<16xi32>
        %gather3A_524 = tpu.vector_load_idx %arg7[%add3A_523, %add3A_235] : memref<128x64xf32, #tpu.memory_space<vmem>>[vector<16xi32>, vector<16xi32>], vector<16xf32>,
        %add3A_525 = vector.broadcast %mul3A_521 : i32 to vector<16xi32>
        %add3A_526 = arith.addi %add3A_154, %add3A_525 : vector<16xi32>
        tpu.vector_store_idx %arg12[%add3A_28, %add3A_526], %gather3A_524 : memref<8x1024xf32, #tpu.memory_space<vmem>>[vector<16xi32>, vector<16xi32>], vector<16xf32>,
        %gather3A_527 = tpu.vector_load_idx %arg7[%add3A_523, %add3A_238] : memref<128x64xf32, #tpu.memory_space<vmem>>[vector<16xi32>, vector<16xi32>], vector<16xf32>,
        %add3A_528 = vector.broadcast %mul3A_521 : i32 to vector<16xi32>
        %add3A_529 = arith.addi %add3A_180, %add3A_528 : vector<16xi32>
        tpu.vector_store_idx %arg12[%add3A_62, %add3A_529], %gather3A_527 : memref<8x1024xf32, #tpu.memory_space<vmem>>[vector<16xi32>, vector<16xi32>], vector<16xf32>,
        %gather3A_530 = tpu.vector_load_idx %arg7[%add3A_523, %add3A_241] : memref<128x64xf32, #tpu.memory_space<vmem>>[vector<16xi32>, vector<16xi32>], vector<16xf32>,
        %add3A_531 = vector.broadcast %mul3A_521 : i32 to vector<16xi32>
        %add3A_532 = arith.addi %add3A_206, %add3A_531 : vector<16xi32>
        tpu.vector_store_idx %arg12[%add3A_96, %add3A_532], %gather3A_530 : memref<8x1024xf32, #tpu.memory_space<vmem>>[vector<16xi32>, vector<16xi32>], vector<16xf32>,
        %gather3A_533 = tpu.vector_load_idx %arg7[%add3A_523, %add3A_244] : memref<128x64xf32, #tpu.memory_space<vmem>>[vector<16xi32>, vector<16xi32>], vector<16xf32>,
        %add3A_534 = vector.broadcast %mul3A_521 : i32 to vector<16xi32>
        %add3A_535 = arith.addi %add3A_232, %add3A_534 : vector<16xi32>
        tpu.vector_store_idx %arg12[%add3A_130, %add3A_535], %gather3A_533 : memref<8x1024xf32, #tpu.memory_space<vmem>>[vector<16xi32>, vector<16xi32>], vector<16xf32>,
        %scan3A_536 = arith.constant 2 : i32
        %scan3A_537 = arith.addi %scan3A_494, %scan3A_536 : i32
        %mul3A_538 = arith.constant 1 : i32
        %mul3A_539 = arith.muli %scan3A_537, %mul3A_538 : i32
        %add3A_540 = arith.constant 0 : i32
        %add3A_541 = arith.addi %add3A_540, %mul3A_539 : i32
        %mul3A_542 = arith.constant 16 : i32
        %mul3A_543 = arith.muli %add3A_541, %mul3A_542 : i32
        %add3A_544 = vector.broadcast %mul3A_543 : i32 to vector<16xi32>
        %add3A_545 = arith.addi %iota3A, %add3A_544 : vector<16xi32>
        %gather3A_546 = tpu.vector_load_idx %arg7[%add3A_545, %add3A_235] : memref<128x64xf32, #tpu.memory_space<vmem>>[vector<16xi32>, vector<16xi32>], vector<16xf32>,
        %add3A_547 = vector.broadcast %mul3A_543 : i32 to vector<16xi32>
        %add3A_548 = arith.addi %add3A_154, %add3A_547 : vector<16xi32>
        tpu.vector_store_idx %arg12[%add3A_28, %add3A_548], %gather3A_546 : memref<8x1024xf32, #tpu.memory_space<vmem>>[vector<16xi32>, vector<16xi32>], vector<16xf32>,
        %gather3A_549 = tpu.vector_load_idx %arg7[%add3A_545, %add3A_238] : memref<128x64xf32, #tpu.memory_space<vmem>>[vector<16xi32>, vector<16xi32>], vector<16xf32>,
        %add3A_550 = vector.broadcast %mul3A_543 : i32 to vector<16xi32>
        %add3A_551 = arith.addi %add3A_180, %add3A_550 : vector<16xi32>
        tpu.vector_store_idx %arg12[%add3A_62, %add3A_551], %gather3A_549 : memref<8x1024xf32, #tpu.memory_space<vmem>>[vector<16xi32>, vector<16xi32>], vector<16xf32>,
        %gather3A_552 = tpu.vector_load_idx %arg7[%add3A_545, %add3A_241] : memref<128x64xf32, #tpu.memory_space<vmem>>[vector<16xi32>, vector<16xi32>], vector<16xf32>,
        %add3A_553 = vector.broadcast %mul3A_543 : i32 to vector<16xi32>
        %add3A_554 = arith.addi %add3A_206, %add3A_553 : vector<16xi32>
        tpu.vector_store_idx %arg12[%add3A_96, %add3A_554], %gather3A_552 : memref<8x1024xf32, #tpu.memory_space<vmem>>[vector<16xi32>, vector<16xi32>], vector<16xf32>,
        %gather3A_555 = tpu.vector_load_idx %arg7[%add3A_545, %add3A_244] : memref<128x64xf32, #tpu.memory_space<vmem>>[vector<16xi32>, vector<16xi32>], vector<16xf32>,
        %add3A_556 = vector.broadcast %mul3A_543 : i32 to vector<16xi32>
        %add3A_557 = arith.addi %add3A_232, %add3A_556 : vector<16xi32>
        tpu.vector_store_idx %arg12[%add3A_130, %add3A_557], %gather3A_555 : memref<8x1024xf32, #tpu.memory_space<vmem>>[vector<16xi32>, vector<16xi32>], vector<16xf32>,
        %scan3A_558 = arith.constant 3 : i32
        %scan3A_559 = arith.addi %scan3A_494, %scan3A_558 : i32
        %mul3A_560 = arith.constant 1 : i32
        %mul3A_561 = arith.muli %scan3A_559, %mul3A_560 : i32
        %add3A_562 = arith.constant 0 : i32
        %add3A_563 = arith.addi %add3A_562, %mul3A_561 : i32
        %mul3A_564 = arith.constant 16 : i32
        %mul3A_565 = arith.muli %add3A_563, %mul3A_564 : i32
        %add3A_566 = vector.broadcast %mul3A_565 : i32 to vector<16xi32>
        %add3A_567 = arith.addi %iota3A, %add3A_566 : vector<16xi32>
        %gather3A_568 = tpu.vector_load_idx %arg7[%add3A_567, %add3A_235] : memref<128x64xf32, #tpu.memory_space<vmem>>[vector<16xi32>, vector<16xi32>], vector<16xf32>,
        %add3A_569 = vector.broadcast %mul3A_565 : i32 to vector<16xi32>
        %add3A_570 = arith.addi %add3A_154, %add3A_569 : vector<16xi32>
        tpu.vector_store_idx %arg12[%add3A_28, %add3A_570], %gather3A_568 : memref<8x1024xf32, #tpu.memory_space<vmem>>[vector<16xi32>, vector<16xi32>], vector<16xf32>,
        %gather3A_571 = tpu.vector_load_idx %arg7[%add3A_567, %add3A_238] : memref<128x64xf32, #tpu.memory_space<vmem>>[vector<16xi32>, vector<16xi32>], vector<16xf32>,
        %add3A_572 = vector.broadcast %mul3A_565 : i32 to vector<16xi32>
        %add3A_573 = arith.addi %add3A_180, %add3A_572 : vector<16xi32>
        tpu.vector_store_idx %arg12[%add3A_62, %add3A_573], %gather3A_571 : memref<8x1024xf32, #tpu.memory_space<vmem>>[vector<16xi32>, vector<16xi32>], vector<16xf32>,
        %gather3A_574 = tpu.vector_load_idx %arg7[%add3A_567, %add3A_241] : memref<128x64xf32, #tpu.memory_space<vmem>>[vector<16xi32>, vector<16xi32>], vector<16xf32>,
        %add3A_575 = vector.broadcast %mul3A_565 : i32 to vector<16xi32>
        %add3A_576 = arith.addi %add3A_206, %add3A_575 : vector<16xi32>
        tpu.vector_store_idx %arg12[%add3A_96, %add3A_576], %gather3A_574 : memref<8x1024xf32, #tpu.memory_space<vmem>>[vector<16xi32>, vector<16xi32>], vector<16xf32>,
        %gather3A_577 = tpu.vector_load_idx %arg7[%add3A_567, %add3A_244] : memref<128x64xf32, #tpu.memory_space<vmem>>[vector<16xi32>, vector<16xi32>], vector<16xf32>,
        %add3A_578 = vector.broadcast %mul3A_565 : i32 to vector<16xi32>
        %add3A_579 = arith.addi %add3A_232, %add3A_578 : vector<16xi32>
        tpu.vector_store_idx %arg12[%add3A_130, %add3A_579], %gather3A_577 : memref<8x1024xf32, #tpu.memory_space<vmem>>[vector<16xi32>, vector<16xi32>], vector<16xf32>,
      }
      %scan3A_381 = arith.constant 8 : i32
      %dma_start3A_382 = arith.constant 0 : i32
      %dma_start3A_383 = arith.constant 0 : i32
      %dma_start3A_384 = tpu.memref_slice %arg4[%add3A_365, %dma_start3A_382, %add3A, %dma_start3A_383] : memref<50x8x32x1024xf32, #tpu.memory_space<hbm>> -> memref<1x8x1x1024xf32, #tpu.memory_space<hbm>>
      %dma_start3A_385 = tpu.memref_squeeze %dma_start3A_384 : memref<1x8x1x1024xf32, #tpu.memory_space<hbm>> -> memref<8x1024xf32, #tpu.memory_space<hbm>>
      %dma_start3A_386 = arith.constant 0 : i32
      %dma_start3A_387 = arith.constant 0 : i32
      %dma_start3A_388 = tpu.memref_slice %arg4[%add3A_365, %dma_start3A_386, %add3A, %dma_start3A_387] : memref<50x8x32x1024xf32, #tpu.memory_space<hbm>> -> memref<1x8x1x1024xf32, #tpu.memory_space<hbm>>
      %dma_start3A_389 = tpu.memref_squeeze %dma_start3A_388 : memref<1x8x1x1024xf32, #tpu.memory_space<hbm>> -> memref<8x1024xf32, #tpu.memory_space<hbm>>
      tpu.enqueue_dma source(%arg12 : memref<8x1024xf32, #tpu.memory_space<vmem>>) target(%dma_start3A_389 : memref<8x1024xf32, #tpu.memory_space<hbm>>) target_semaphore(%arg22 : memref<!tpu.dma_semaphore, #tpu.memory_space<semaphore_mem>>)
      %lt3A_390 = arith.constant 9 : i32
      %lt3A_391 = arith.cmpi slt, %add3A_331, %lt3A_390 : i32
      %convert_element_type3A_392 = arith.extui %lt3A_391 : i1 to i32
      %cond3A_393 = arith.constant 0 : i32
      %cond3A_394 = arith.cmpi ne, %convert_element_type3A_392, %cond3A_393 : i32
      scf.if %cond3A_394 {
        %add3A_494 = arith.constant 5 : i32
        %add3A_495 = arith.addi %add3A_365, %add3A_494 : i32
        %dma_start3A_496 = arith.constant 0 : i32
        %dma_start3A_497 = tpu.memref_slice %arg5[%add3A_495, %dma_start3A_496] : memref<50x128xi32, #tpu.memory_space<vmem>> -> memref<1x128xi32, #tpu.memory_space<vmem>>
        %dma_start3A_498 = tpu.memref_squeeze %dma_start3A_497 : memref<1x128xi32, #tpu.memory_space<vmem>> -> memref<128xi32, #tpu.memory_space<vmem>>
        %dma_start3A_499 = arith.constant 0 : i32
        %dma_start3A_500 = arith.constant 0 : i32
        %dma_start3A_501 = tpu.memref_slice %arg3[%dma_start3A_499, %dma_start3A_500] : memref<1000001x64xf32, #tpu.memory_space<hbm>> -> memref<1000001x64xf32, #tpu.memory_space<hbm>>
        tpu.enqueue_indirect_dma source(%dma_start3A_501 : memref<1000001x64xf32, #tpu.memory_space<hbm>>) target(%arg7 : memref<128x64xf32, #tpu.memory_space<vmem>>) offsets(%dma_start3A_498 : memref<128xi32, #tpu.memory_space<vmem>>) semaphore(%arg17 : memref<!tpu.dma_semaphore, #tpu.memory_space<semaphore_mem>>)
      } else {
      }
      %mul3A_395 = arith.constant 5 : i32
      %mul3A_396 = arith.muli %mul3A_395, %add3A_331 : i32
      %add3A_397 = arith.constant 2 : i32
      %add3A_398 = arith.addi %mul3A_396, %add3A_397 : i32
      %dma_wait3A_399 = arith.constant 0 : i32
      %dma_wait3A_400 = tpu.memref_slice %arg5[%add3A_398, %dma_wait3A_399] : memref<50x128xi32, #tpu.memory_space<vmem>> -> memref<1x128xi32, #tpu.memory_space<vmem>>
      %dma_wait3A_401 = tpu.memref_squeeze %dma_wait3A_400 : memref<1x128xi32, #tpu.memory_space<vmem>> -> memref<128xi32, #tpu.memory_space<vmem>>
      %dma_wait3A_402 = arith.constant 0 : i32
      %dma_wait3A_403 = arith.constant 0 : i32
      %dma_wait3A_404 = tpu.memref_slice %arg3[%dma_wait3A_402, %dma_wait3A_403] : memref<1000001x64xf32, #tpu.memory_space<hbm>> -> memref<1000001x64xf32, #tpu.memory_space<hbm>>
      tpu.wait_indirect_dma semaphore(%arg18 : memref<!tpu.dma_semaphore, #tpu.memory_space<semaphore_mem>>) src(%dma_wait3A_404 : memref<1000001x64xf32, #tpu.memory_space<hbm>>) dst(%arg8 : memref<128x64xf32, #tpu.memory_space<vmem>>)
      %gt3A_405 = arith.constant 0 : i32
      %gt3A_406 = arith.cmpi sgt, %add3A_331, %gt3A_405 : i32
      %convert_element_type3A_407 = arith.extui %gt3A_406 : i1 to i32
      %cond3A_408 = arith.constant 0 : i32
      %cond3A_409 = arith.cmpi ne, %convert_element_type3A_407, %cond3A_408 : i32
      scf.if %cond3A_409 {
        %sub3A_494 = arith.constant 5 : i32
        %sub3A_495 = arith.subi %add3A_398, %sub3A_494 : i32
        %dma_wait3A_496 = arith.constant 0 : i32
        %dma_wait3A_497 = arith.constant 0 : i32
        %dma_wait3A_498 = tpu.memref_slice %arg4[%sub3A_495, %dma_wait3A_496, %add3A, %dma_wait3A_497] : memref<50x8x32x1024xf32, #tpu.memory_space<hbm>> -> memref<1x8x1x1024xf32, #tpu.memory_space<hbm>>
        %dma_wait3A_499 = tpu.memref_squeeze %dma_wait3A_498 : memref<1x8x1x1024xf32, #tpu.memory_space<hbm>> -> memref<8x1024xf32, #tpu.memory_space<hbm>>
        %dma_wait3A_500 = arith.constant 0 : i32
        %dma_wait3A_501 = arith.constant 0 : i32
        %dma_wait3A_502 = tpu.memref_slice %arg4[%sub3A_495, %dma_wait3A_500, %add3A, %dma_wait3A_501] : memref<50x8x32x1024xf32, #tpu.memory_space<hbm>> -> memref<1x8x1x1024xf32, #tpu.memory_space<hbm>>
        %dma_wait3A_503 = tpu.memref_squeeze %dma_wait3A_502 : memref<1x8x1x1024xf32, #tpu.memory_space<hbm>> -> memref<8x1024xf32, #tpu.memory_space<hbm>>
        tpu.wait_dma2 semaphore(%arg23 : memref<!tpu.dma_semaphore, #tpu.memory_space<semaphore_mem>>) src(%arg13 : memref<8x1024xf32, #tpu.memory_space<vmem>>) dst(%dma_wait3A_503 : memref<8x1024xf32, #tpu.memory_space<hbm>>)
      } else {
      }
      %scan3A_410 = arith.constant 0 : i32
      %scan3A_411 = arith.constant 8 : i32
      %scan3A_412 = arith.addi %scan3A_410, %scan3A_411 : i32
      %scan3A_413 = arith.constant 4 : i32
      scf.for %scan3A_494 = %scan3A_410 to %scan3A_412 step %scan3A_413  : i32 {
        %mul3A_495 = arith.constant 1 : i32
        %mul3A_496 = arith.muli %scan3A_494, %mul3A_495 : i32
        %add3A_497 = arith.constant 0 : i32
        %add3A_498 = arith.addi %add3A_497, %mul3A_496 : i32
        %mul3A_499 = arith.constant 16 : i32
        %mul3A_500 = arith.muli %add3A_498, %mul3A_499 : i32
        %add3A_501 = vector.broadcast %mul3A_500 : i32 to vector<16xi32>
        %add3A_502 = arith.addi %iota3A, %add3A_501 : vector<16xi32>
        %gather3A = tpu.vector_load_idx %arg8[%add3A_502, %add3A_235] : memref<128x64xf32, #tpu.memory_space<vmem>>[vector<16xi32>, vector<16xi32>], vector<16xf32>,
        %add3A_503 = vector.broadcast %mul3A_500 : i32 to vector<16xi32>
        %add3A_504 = arith.addi %add3A_154, %add3A_503 : vector<16xi32>
        tpu.vector_store_idx %arg13[%add3A_28, %add3A_504], %gather3A : memref<8x1024xf32, #tpu.memory_space<vmem>>[vector<16xi32>, vector<16xi32>], vector<16xf32>,
        %gather3A_505 = tpu.vector_load_idx %arg8[%add3A_502, %add3A_238] : memref<128x64xf32, #tpu.memory_space<vmem>>[vector<16xi32>, vector<16xi32>], vector<16xf32>,
        %add3A_506 = vector.broadcast %mul3A_500 : i32 to vector<16xi32>
        %add3A_507 = arith.addi %add3A_180, %add3A_506 : vector<16xi32>
        tpu.vector_store_idx %arg13[%add3A_62, %add3A_507], %gather3A_505 : memref<8x1024xf32, #tpu.memory_space<vmem>>[vector<16xi32>, vector<16xi32>], vector<16xf32>,
        %gather3A_508 = tpu.vector_load_idx %arg8[%add3A_502, %add3A_241] : memref<128x64xf32, #tpu.memory_space<vmem>>[vector<16xi32>, vector<16xi32>], vector<16xf32>,
        %add3A_509 = vector.broadcast %mul3A_500 : i32 to vector<16xi32>
        %add3A_510 = arith.addi %add3A_206, %add3A_509 : vector<16xi32>
        tpu.vector_store_idx %arg13[%add3A_96, %add3A_510], %gather3A_508 : memref<8x1024xf32, #tpu.memory_space<vmem>>[vector<16xi32>, vector<16xi32>], vector<16xf32>,
        %gather3A_511 = tpu.vector_load_idx %arg8[%add3A_502, %add3A_244] : memref<128x64xf32, #tpu.memory_space<vmem>>[vector<16xi32>, vector<16xi32>], vector<16xf32>,
        %add3A_512 = vector.broadcast %mul3A_500 : i32 to vector<16xi32>
        %add3A_513 = arith.addi %add3A_232, %add3A_512 : vector<16xi32>
        tpu.vector_store_idx %arg13[%add3A_130, %add3A_513], %gather3A_511 : memref<8x1024xf32, #tpu.memory_space<vmem>>[vector<16xi32>, vector<16xi32>], vector<16xf32>,
        %scan3A_514 = arith.constant 1 : i32
        %scan3A_515 = arith.addi %scan3A_494, %scan3A_514 : i32
        %mul3A_516 = arith.constant 1 : i32
        %mul3A_517 = arith.muli %scan3A_515, %mul3A_516 : i32
        %add3A_518 = arith.constant 0 : i32
        %add3A_519 = arith.addi %add3A_518, %mul3A_517 : i32
        %mul3A_520 = arith.constant 16 : i32
        %mul3A_521 = arith.muli %add3A_519, %mul3A_520 : i32
        %add3A_522 = vector.broadcast %mul3A_521 : i32 to vector<16xi32>
        %add3A_523 = arith.addi %iota3A, %add3A_522 : vector<16xi32>
        %gather3A_524 = tpu.vector_load_idx %arg8[%add3A_523, %add3A_235] : memref<128x64xf32, #tpu.memory_space<vmem>>[vector<16xi32>, vector<16xi32>], vector<16xf32>,
        %add3A_525 = vector.broadcast %mul3A_521 : i32 to vector<16xi32>
        %add3A_526 = arith.addi %add3A_154, %add3A_525 : vector<16xi32>
        tpu.vector_store_idx %arg13[%add3A_28, %add3A_526], %gather3A_524 : memref<8x1024xf32, #tpu.memory_space<vmem>>[vector<16xi32>, vector<16xi32>], vector<16xf32>,
        %gather3A_527 = tpu.vector_load_idx %arg8[%add3A_523, %add3A_238] : memref<128x64xf32, #tpu.memory_space<vmem>>[vector<16xi32>, vector<16xi32>], vector<16xf32>,
        %add3A_528 = vector.broadcast %mul3A_521 : i32 to vector<16xi32>
        %add3A_529 = arith.addi %add3A_180, %add3A_528 : vector<16xi32>
        tpu.vector_store_idx %arg13[%add3A_62, %add3A_529], %gather3A_527 : memref<8x1024xf32, #tpu.memory_space<vmem>>[vector<16xi32>, vector<16xi32>], vector<16xf32>,
        %gather3A_530 = tpu.vector_load_idx %arg8[%add3A_523, %add3A_241] : memref<128x64xf32, #tpu.memory_space<vmem>>[vector<16xi32>, vector<16xi32>], vector<16xf32>,
        %add3A_531 = vector.broadcast %mul3A_521 : i32 to vector<16xi32>
        %add3A_532 = arith.addi %add3A_206, %add3A_531 : vector<16xi32>
        tpu.vector_store_idx %arg13[%add3A_96, %add3A_532], %gather3A_530 : memref<8x1024xf32, #tpu.memory_space<vmem>>[vector<16xi32>, vector<16xi32>], vector<16xf32>,
        %gather3A_533 = tpu.vector_load_idx %arg8[%add3A_523, %add3A_244] : memref<128x64xf32, #tpu.memory_space<vmem>>[vector<16xi32>, vector<16xi32>], vector<16xf32>,
        %add3A_534 = vector.broadcast %mul3A_521 : i32 to vector<16xi32>
        %add3A_535 = arith.addi %add3A_232, %add3A_534 : vector<16xi32>
        tpu.vector_store_idx %arg13[%add3A_130, %add3A_535], %gather3A_533 : memref<8x1024xf32, #tpu.memory_space<vmem>>[vector<16xi32>, vector<16xi32>], vector<16xf32>,
        %scan3A_536 = arith.constant 2 : i32
        %scan3A_537 = arith.addi %scan3A_494, %scan3A_536 : i32
        %mul3A_538 = arith.constant 1 : i32
        %mul3A_539 = arith.muli %scan3A_537, %mul3A_538 : i32
        %add3A_540 = arith.constant 0 : i32
        %add3A_541 = arith.addi %add3A_540, %mul3A_539 : i32
        %mul3A_542 = arith.constant 16 : i32
        %mul3A_543 = arith.muli %add3A_541, %mul3A_542 : i32
        %add3A_544 = vector.broadcast %mul3A_543 : i32 to vector<16xi32>
        %add3A_545 = arith.addi %iota3A, %add3A_544 : vector<16xi32>
        %gather3A_546 = tpu.vector_load_idx %arg8[%add3A_545, %add3A_235] : memref<128x64xf32, #tpu.memory_space<vmem>>[vector<16xi32>, vector<16xi32>], vector<16xf32>,
        %add3A_547 = vector.broadcast %mul3A_543 : i32 to vector<16xi32>
        %add3A_548 = arith.addi %add3A_154, %add3A_547 : vector<16xi32>
        tpu.vector_store_idx %arg13[%add3A_28, %add3A_548], %gather3A_546 : memref<8x1024xf32, #tpu.memory_space<vmem>>[vector<16xi32>, vector<16xi32>], vector<16xf32>,
        %gather3A_549 = tpu.vector_load_idx %arg8[%add3A_545, %add3A_238] : memref<128x64xf32, #tpu.memory_space<vmem>>[vector<16xi32>, vector<16xi32>], vector<16xf32>,
        %add3A_550 = vector.broadcast %mul3A_543 : i32 to vector<16xi32>
        %add3A_551 = arith.addi %add3A_180, %add3A_550 : vector<16xi32>
        tpu.vector_store_idx %arg13[%add3A_62, %add3A_551], %gather3A_549 : memref<8x1024xf32, #tpu.memory_space<vmem>>[vector<16xi32>, vector<16xi32>], vector<16xf32>,
        %gather3A_552 = tpu.vector_load_idx %arg8[%add3A_545, %add3A_241] : memref<128x64xf32, #tpu.memory_space<vmem>>[vector<16xi32>, vector<16xi32>], vector<16xf32>,
        %add3A_553 = vector.broadcast %mul3A_543 : i32 to vector<16xi32>
        %add3A_554 = arith.addi %add3A_206, %add3A_553 : vector<16xi32>
        tpu.vector_store_idx %arg13[%add3A_96, %add3A_554], %gather3A_552 : memref<8x1024xf32, #tpu.memory_space<vmem>>[vector<16xi32>, vector<16xi32>], vector<16xf32>,
        %gather3A_555 = tpu.vector_load_idx %arg8[%add3A_545, %add3A_244] : memref<128x64xf32, #tpu.memory_space<vmem>>[vector<16xi32>, vector<16xi32>], vector<16xf32>,
        %add3A_556 = vector.broadcast %mul3A_543 : i32 to vector<16xi32>
        %add3A_557 = arith.addi %add3A_232, %add3A_556 : vector<16xi32>
        tpu.vector_store_idx %arg13[%add3A_130, %add3A_557], %gather3A_555 : memref<8x1024xf32, #tpu.memory_space<vmem>>[vector<16xi32>, vector<16xi32>], vector<16xf32>,
        %scan3A_558 = arith.constant 3 : i32
        %scan3A_559 = arith.addi %scan3A_494, %scan3A_558 : i32
        %mul3A_560 = arith.constant 1 : i32
        %mul3A_561 = arith.muli %scan3A_559, %mul3A_560 : i32
        %add3A_562 = arith.constant 0 : i32
        %add3A_563 = arith.addi %add3A_562, %mul3A_561 : i32
        %mul3A_564 = arith.constant 16 : i32
        %mul3A_565 = arith.muli %add3A_563, %mul3A_564 : i32
        %add3A_566 = vector.broadcast %mul3A_565 : i32 to vector<16xi32>
        %add3A_567 = arith.addi %iota3A, %add3A_566 : vector<16xi32>
        %gather3A_568 = tpu.vector_load_idx %arg8[%add3A_567, %add3A_235] : memref<128x64xf32, #tpu.memory_space<vmem>>[vector<16xi32>, vector<16xi32>], vector<16xf32>,
        %add3A_569 = vector.broadcast %mul3A_565 : i32 to vector<16xi32>
        %add3A_570 = arith.addi %add3A_154, %add3A_569 : vector<16xi32>
        tpu.vector_store_idx %arg13[%add3A_28, %add3A_570], %gather3A_568 : memref<8x1024xf32, #tpu.memory_space<vmem>>[vector<16xi32>, vector<16xi32>], vector<16xf32>,
        %gather3A_571 = tpu.vector_load_idx %arg8[%add3A_567, %add3A_238] : memref<128x64xf32, #tpu.memory_space<vmem>>[vector<16xi32>, vector<16xi32>], vector<16xf32>,
        %add3A_572 = vector.broadcast %mul3A_565 : i32 to vector<16xi32>
        %add3A_573 = arith.addi %add3A_180, %add3A_572 : vector<16xi32>
        tpu.vector_store_idx %arg13[%add3A_62, %add3A_573], %gather3A_571 : memref<8x1024xf32, #tpu.memory_space<vmem>>[vector<16xi32>, vector<16xi32>], vector<16xf32>,
        %gather3A_574 = tpu.vector_load_idx %arg8[%add3A_567, %add3A_241] : memref<128x64xf32, #tpu.memory_space<vmem>>[vector<16xi32>, vector<16xi32>], vector<16xf32>,
        %add3A_575 = vector.broadcast %mul3A_565 : i32 to vector<16xi32>
        %add3A_576 = arith.addi %add3A_206, %add3A_575 : vector<16xi32>
        tpu.vector_store_idx %arg13[%add3A_96, %add3A_576], %gather3A_574 : memref<8x1024xf32, #tpu.memory_space<vmem>>[vector<16xi32>, vector<16xi32>], vector<16xf32>,
        %gather3A_577 = tpu.vector_load_idx %arg8[%add3A_567, %add3A_244] : memref<128x64xf32, #tpu.memory_space<vmem>>[vector<16xi32>, vector<16xi32>], vector<16xf32>,
        %add3A_578 = vector.broadcast %mul3A_565 : i32 to vector<16xi32>
        %add3A_579 = arith.addi %add3A_232, %add3A_578 : vector<16xi32>
        tpu.vector_store_idx %arg13[%add3A_130, %add3A_579], %gather3A_577 : memref<8x1024xf32, #tpu.memory_space<vmem>>[vector<16xi32>, vector<16xi32>], vector<16xf32>,
      }
      %scan3A_414 = arith.constant 8 : i32
      %dma_start3A_415 = arith.constant 0 : i32
      %dma_start3A_416 = arith.constant 0 : i32
      %dma_start3A_417 = tpu.memref_slice %arg4[%add3A_398, %dma_start3A_415, %add3A, %dma_start3A_416] : memref<50x8x32x1024xf32, #tpu.memory_space<hbm>> -> memref<1x8x1x1024xf32, #tpu.memory_space<hbm>>
      %dma_start3A_418 = tpu.memref_squeeze %dma_start3A_417 : memref<1x8x1x1024xf32, #tpu.memory_space<hbm>> -> memref<8x1024xf32, #tpu.memory_space<hbm>>
      %dma_start3A_419 = arith.constant 0 : i32
      %dma_start3A_420 = arith.constant 0 : i32
      %dma_start3A_421 = tpu.memref_slice %arg4[%add3A_398, %dma_start3A_419, %add3A, %dma_start3A_420] : memref<50x8x32x1024xf32, #tpu.memory_space<hbm>> -> memref<1x8x1x1024xf32, #tpu.memory_space<hbm>>
      %dma_start3A_422 = tpu.memref_squeeze %dma_start3A_421 : memref<1x8x1x1024xf32, #tpu.memory_space<hbm>> -> memref<8x1024xf32, #tpu.memory_space<hbm>>
      tpu.enqueue_dma source(%arg13 : memref<8x1024xf32, #tpu.memory_space<vmem>>) target(%dma_start3A_422 : memref<8x1024xf32, #tpu.memory_space<hbm>>) target_semaphore(%arg23 : memref<!tpu.dma_semaphore, #tpu.memory_space<semaphore_mem>>)
      %lt3A_423 = arith.constant 9 : i32
      %lt3A_424 = arith.cmpi slt, %add3A_331, %lt3A_423 : i32
      %convert_element_type3A_425 = arith.extui %lt3A_424 : i1 to i32
      %cond3A_426 = arith.constant 0 : i32
      %cond3A_427 = arith.cmpi ne, %convert_element_type3A_425, %cond3A_426 : i32
      scf.if %cond3A_427 {
        %add3A_494 = arith.constant 5 : i32
        %add3A_495 = arith.addi %add3A_398, %add3A_494 : i32
        %dma_start3A_496 = arith.constant 0 : i32
        %dma_start3A_497 = tpu.memref_slice %arg5[%add3A_495, %dma_start3A_496] : memref<50x128xi32, #tpu.memory_space<vmem>> -> memref<1x128xi32, #tpu.memory_space<vmem>>
        %dma_start3A_498 = tpu.memref_squeeze %dma_start3A_497 : memref<1x128xi32, #tpu.memory_space<vmem>> -> memref<128xi32, #tpu.memory_space<vmem>>
        %dma_start3A_499 = arith.constant 0 : i32
        %dma_start3A_500 = arith.constant 0 : i32
        %dma_start3A_501 = tpu.memref_slice %arg3[%dma_start3A_499, %dma_start3A_500] : memref<1000001x64xf32, #tpu.memory_space<hbm>> -> memref<1000001x64xf32, #tpu.memory_space<hbm>>
        tpu.enqueue_indirect_dma source(%dma_start3A_501 : memref<1000001x64xf32, #tpu.memory_space<hbm>>) target(%arg8 : memref<128x64xf32, #tpu.memory_space<vmem>>) offsets(%dma_start3A_498 : memref<128xi32, #tpu.memory_space<vmem>>) semaphore(%arg18 : memref<!tpu.dma_semaphore, #tpu.memory_space<semaphore_mem>>)
      } else {
      }
      %mul3A_428 = arith.constant 5 : i32
      %mul3A_429 = arith.muli %mul3A_428, %add3A_331 : i32
      %add3A_430 = arith.constant 3 : i32
      %add3A_431 = arith.addi %mul3A_429, %add3A_430 : i32
      %dma_wait3A_432 = arith.constant 0 : i32
      %dma_wait3A_433 = tpu.memref_slice %arg5[%add3A_431, %dma_wait3A_432] : memref<50x128xi32, #tpu.memory_space<vmem>> -> memref<1x128xi32, #tpu.memory_space<vmem>>
      %dma_wait3A_434 = tpu.memref_squeeze %dma_wait3A_433 : memref<1x128xi32, #tpu.memory_space<vmem>> -> memref<128xi32, #tpu.memory_space<vmem>>
      %dma_wait3A_435 = arith.constant 0 : i32
      %dma_wait3A_436 = arith.constant 0 : i32
      %dma_wait3A_437 = tpu.memref_slice %arg3[%dma_wait3A_435, %dma_wait3A_436] : memref<1000001x64xf32, #tpu.memory_space<hbm>> -> memref<1000001x64xf32, #tpu.memory_space<hbm>>
      tpu.wait_indirect_dma semaphore(%arg19 : memref<!tpu.dma_semaphore, #tpu.memory_space<semaphore_mem>>) src(%dma_wait3A_437 : memref<1000001x64xf32, #tpu.memory_space<hbm>>) dst(%arg9 : memref<128x64xf32, #tpu.memory_space<vmem>>)
      %gt3A_438 = arith.constant 0 : i32
      %gt3A_439 = arith.cmpi sgt, %add3A_331, %gt3A_438 : i32
      %convert_element_type3A_440 = arith.extui %gt3A_439 : i1 to i32
      %cond3A_441 = arith.constant 0 : i32
      %cond3A_442 = arith.cmpi ne, %convert_element_type3A_440, %cond3A_441 : i32
      scf.if %cond3A_442 {
        %sub3A_494 = arith.constant 5 : i32
        %sub3A_495 = arith.subi %add3A_431, %sub3A_494 : i32
        %dma_wait3A_496 = arith.constant 0 : i32
        %dma_wait3A_497 = arith.constant 0 : i32
        %dma_wait3A_498 = tpu.memref_slice %arg4[%sub3A_495, %dma_wait3A_496, %add3A, %dma_wait3A_497] : memref<50x8x32x1024xf32, #tpu.memory_space<hbm>> -> memref<1x8x1x1024xf32, #tpu.memory_space<hbm>>
        %dma_wait3A_499 = tpu.memref_squeeze %dma_wait3A_498 : memref<1x8x1x1024xf32, #tpu.memory_space<hbm>> -> memref<8x1024xf32, #tpu.memory_space<hbm>>
        %dma_wait3A_500 = arith.constant 0 : i32
        %dma_wait3A_501 = arith.constant 0 : i32
        %dma_wait3A_502 = tpu.memref_slice %arg4[%sub3A_495, %dma_wait3A_500, %add3A, %dma_wait3A_501] : memref<50x8x32x1024xf32, #tpu.memory_space<hbm>> -> memref<1x8x1x1024xf32, #tpu.memory_space<hbm>>
        %dma_wait3A_503 = tpu.memref_squeeze %dma_wait3A_502 : memref<1x8x1x1024xf32, #tpu.memory_space<hbm>> -> memref<8x1024xf32, #tpu.memory_space<hbm>>
        tpu.wait_dma2 semaphore(%arg24 : memref<!tpu.dma_semaphore, #tpu.memory_space<semaphore_mem>>) src(%arg14 : memref<8x1024xf32, #tpu.memory_space<vmem>>) dst(%dma_wait3A_503 : memref<8x1024xf32, #tpu.memory_space<hbm>>)
      } else {
      }
      %scan3A_443 = arith.constant 0 : i32
      %scan3A_444 = arith.constant 8 : i32
      %scan3A_445 = arith.addi %scan3A_443, %scan3A_444 : i32
      %scan3A_446 = arith.constant 4 : i32
      scf.for %scan3A_494 = %scan3A_443 to %scan3A_445 step %scan3A_446  : i32 {
        %mul3A_495 = arith.constant 1 : i32
        %mul3A_496 = arith.muli %scan3A_494, %mul3A_495 : i32
        %add3A_497 = arith.constant 0 : i32
        %add3A_498 = arith.addi %add3A_497, %mul3A_496 : i32
        %mul3A_499 = arith.constant 16 : i32
        %mul3A_500 = arith.muli %add3A_498, %mul3A_499 : i32
        %add3A_501 = vector.broadcast %mul3A_500 : i32 to vector<16xi32>
        %add3A_502 = arith.addi %iota3A, %add3A_501 : vector<16xi32>
        %gather3A = tpu.vector_load_idx %arg9[%add3A_502, %add3A_235] : memref<128x64xf32, #tpu.memory_space<vmem>>[vector<16xi32>, vector<16xi32>], vector<16xf32>,
        %add3A_503 = vector.broadcast %mul3A_500 : i32 to vector<16xi32>
        %add3A_504 = arith.addi %add3A_154, %add3A_503 : vector<16xi32>
        tpu.vector_store_idx %arg14[%add3A_28, %add3A_504], %gather3A : memref<8x1024xf32, #tpu.memory_space<vmem>>[vector<16xi32>, vector<16xi32>], vector<16xf32>,
        %gather3A_505 = tpu.vector_load_idx %arg9[%add3A_502, %add3A_238] : memref<128x64xf32, #tpu.memory_space<vmem>>[vector<16xi32>, vector<16xi32>], vector<16xf32>,
        %add3A_506 = vector.broadcast %mul3A_500 : i32 to vector<16xi32>
        %add3A_507 = arith.addi %add3A_180, %add3A_506 : vector<16xi32>
        tpu.vector_store_idx %arg14[%add3A_62, %add3A_507], %gather3A_505 : memref<8x1024xf32, #tpu.memory_space<vmem>>[vector<16xi32>, vector<16xi32>], vector<16xf32>,
        %gather3A_508 = tpu.vector_load_idx %arg9[%add3A_502, %add3A_241] : memref<128x64xf32, #tpu.memory_space<vmem>>[vector<16xi32>, vector<16xi32>], vector<16xf32>,
        %add3A_509 = vector.broadcast %mul3A_500 : i32 to vector<16xi32>
        %add3A_510 = arith.addi %add3A_206, %add3A_509 : vector<16xi32>
        tpu.vector_store_idx %arg14[%add3A_96, %add3A_510], %gather3A_508 : memref<8x1024xf32, #tpu.memory_space<vmem>>[vector<16xi32>, vector<16xi32>], vector<16xf32>,
        %gather3A_511 = tpu.vector_load_idx %arg9[%add3A_502, %add3A_244] : memref<128x64xf32, #tpu.memory_space<vmem>>[vector<16xi32>, vector<16xi32>], vector<16xf32>,
        %add3A_512 = vector.broadcast %mul3A_500 : i32 to vector<16xi32>
        %add3A_513 = arith.addi %add3A_232, %add3A_512 : vector<16xi32>
        tpu.vector_store_idx %arg14[%add3A_130, %add3A_513], %gather3A_511 : memref<8x1024xf32, #tpu.memory_space<vmem>>[vector<16xi32>, vector<16xi32>], vector<16xf32>,
        %scan3A_514 = arith.constant 1 : i32
        %scan3A_515 = arith.addi %scan3A_494, %scan3A_514 : i32
        %mul3A_516 = arith.constant 1 : i32
        %mul3A_517 = arith.muli %scan3A_515, %mul3A_516 : i32
        %add3A_518 = arith.constant 0 : i32
        %add3A_519 = arith.addi %add3A_518, %mul3A_517 : i32
        %mul3A_520 = arith.constant 16 : i32
        %mul3A_521 = arith.muli %add3A_519, %mul3A_520 : i32
        %add3A_522 = vector.broadcast %mul3A_521 : i32 to vector<16xi32>
        %add3A_523 = arith.addi %iota3A, %add3A_522 : vector<16xi32>
        %gather3A_524 = tpu.vector_load_idx %arg9[%add3A_523, %add3A_235] : memref<128x64xf32, #tpu.memory_space<vmem>>[vector<16xi32>, vector<16xi32>], vector<16xf32>,
        %add3A_525 = vector.broadcast %mul3A_521 : i32 to vector<16xi32>
        %add3A_526 = arith.addi %add3A_154, %add3A_525 : vector<16xi32>
        tpu.vector_store_idx %arg14[%add3A_28, %add3A_526], %gather3A_524 : memref<8x1024xf32, #tpu.memory_space<vmem>>[vector<16xi32>, vector<16xi32>], vector<16xf32>,
        %gather3A_527 = tpu.vector_load_idx %arg9[%add3A_523, %add3A_238] : memref<128x64xf32, #tpu.memory_space<vmem>>[vector<16xi32>, vector<16xi32>], vector<16xf32>,
        %add3A_528 = vector.broadcast %mul3A_521 : i32 to vector<16xi32>
        %add3A_529 = arith.addi %add3A_180, %add3A_528 : vector<16xi32>
        tpu.vector_store_idx %arg14[%add3A_62, %add3A_529], %gather3A_527 : memref<8x1024xf32, #tpu.memory_space<vmem>>[vector<16xi32>, vector<16xi32>], vector<16xf32>,
        %gather3A_530 = tpu.vector_load_idx %arg9[%add3A_523, %add3A_241] : memref<128x64xf32, #tpu.memory_space<vmem>>[vector<16xi32>, vector<16xi32>], vector<16xf32>,
        %add3A_531 = vector.broadcast %mul3A_521 : i32 to vector<16xi32>
        %add3A_532 = arith.addi %add3A_206, %add3A_531 : vector<16xi32>
        tpu.vector_store_idx %arg14[%add3A_96, %add3A_532], %gather3A_530 : memref<8x1024xf32, #tpu.memory_space<vmem>>[vector<16xi32>, vector<16xi32>], vector<16xf32>,
        %gather3A_533 = tpu.vector_load_idx %arg9[%add3A_523, %add3A_244] : memref<128x64xf32, #tpu.memory_space<vmem>>[vector<16xi32>, vector<16xi32>], vector<16xf32>,
        %add3A_534 = vector.broadcast %mul3A_521 : i32 to vector<16xi32>
        %add3A_535 = arith.addi %add3A_232, %add3A_534 : vector<16xi32>
        tpu.vector_store_idx %arg14[%add3A_130, %add3A_535], %gather3A_533 : memref<8x1024xf32, #tpu.memory_space<vmem>>[vector<16xi32>, vector<16xi32>], vector<16xf32>,
        %scan3A_536 = arith.constant 2 : i32
        %scan3A_537 = arith.addi %scan3A_494, %scan3A_536 : i32
        %mul3A_538 = arith.constant 1 : i32
        %mul3A_539 = arith.muli %scan3A_537, %mul3A_538 : i32
        %add3A_540 = arith.constant 0 : i32
        %add3A_541 = arith.addi %add3A_540, %mul3A_539 : i32
        %mul3A_542 = arith.constant 16 : i32
        %mul3A_543 = arith.muli %add3A_541, %mul3A_542 : i32
        %add3A_544 = vector.broadcast %mul3A_543 : i32 to vector<16xi32>
        %add3A_545 = arith.addi %iota3A, %add3A_544 : vector<16xi32>
        %gather3A_546 = tpu.vector_load_idx %arg9[%add3A_545, %add3A_235] : memref<128x64xf32, #tpu.memory_space<vmem>>[vector<16xi32>, vector<16xi32>], vector<16xf32>,
        %add3A_547 = vector.broadcast %mul3A_543 : i32 to vector<16xi32>
        %add3A_548 = arith.addi %add3A_154, %add3A_547 : vector<16xi32>
        tpu.vector_store_idx %arg14[%add3A_28, %add3A_548], %gather3A_546 : memref<8x1024xf32, #tpu.memory_space<vmem>>[vector<16xi32>, vector<16xi32>], vector<16xf32>,
        %gather3A_549 = tpu.vector_load_idx %arg9[%add3A_545, %add3A_238] : memref<128x64xf32, #tpu.memory_space<vmem>>[vector<16xi32>, vector<16xi32>], vector<16xf32>,
        %add3A_550 = vector.broadcast %mul3A_543 : i32 to vector<16xi32>
        %add3A_551 = arith.addi %add3A_180, %add3A_550 : vector<16xi32>
        tpu.vector_store_idx %arg14[%add3A_62, %add3A_551], %gather3A_549 : memref<8x1024xf32, #tpu.memory_space<vmem>>[vector<16xi32>, vector<16xi32>], vector<16xf32>,
        %gather3A_552 = tpu.vector_load_idx %arg9[%add3A_545, %add3A_241] : memref<128x64xf32, #tpu.memory_space<vmem>>[vector<16xi32>, vector<16xi32>], vector<16xf32>,
        %add3A_553 = vector.broadcast %mul3A_543 : i32 to vector<16xi32>
        %add3A_554 = arith.addi %add3A_206, %add3A_553 : vector<16xi32>
        tpu.vector_store_idx %arg14[%add3A_96, %add3A_554], %gather3A_552 : memref<8x1024xf32, #tpu.memory_space<vmem>>[vector<16xi32>, vector<16xi32>], vector<16xf32>,
        %gather3A_555 = tpu.vector_load_idx %arg9[%add3A_545, %add3A_244] : memref<128x64xf32, #tpu.memory_space<vmem>>[vector<16xi32>, vector<16xi32>], vector<16xf32>,
        %add3A_556 = vector.broadcast %mul3A_543 : i32 to vector<16xi32>
        %add3A_557 = arith.addi %add3A_232, %add3A_556 : vector<16xi32>
        tpu.vector_store_idx %arg14[%add3A_130, %add3A_557], %gather3A_555 : memref<8x1024xf32, #tpu.memory_space<vmem>>[vector<16xi32>, vector<16xi32>], vector<16xf32>,
        %scan3A_558 = arith.constant 3 : i32
        %scan3A_559 = arith.addi %scan3A_494, %scan3A_558 : i32
        %mul3A_560 = arith.constant 1 : i32
        %mul3A_561 = arith.muli %scan3A_559, %mul3A_560 : i32
        %add3A_562 = arith.constant 0 : i32
        %add3A_563 = arith.addi %add3A_562, %mul3A_561 : i32
        %mul3A_564 = arith.constant 16 : i32
        %mul3A_565 = arith.muli %add3A_563, %mul3A_564 : i32
        %add3A_566 = vector.broadcast %mul3A_565 : i32 to vector<16xi32>
        %add3A_567 = arith.addi %iota3A, %add3A_566 : vector<16xi32>
        %gather3A_568 = tpu.vector_load_idx %arg9[%add3A_567, %add3A_235] : memref<128x64xf32, #tpu.memory_space<vmem>>[vector<16xi32>, vector<16xi32>], vector<16xf32>,
        %add3A_569 = vector.broadcast %mul3A_565 : i32 to vector<16xi32>
        %add3A_570 = arith.addi %add3A_154, %add3A_569 : vector<16xi32>
        tpu.vector_store_idx %arg14[%add3A_28, %add3A_570], %gather3A_568 : memref<8x1024xf32, #tpu.memory_space<vmem>>[vector<16xi32>, vector<16xi32>], vector<16xf32>,
        %gather3A_571 = tpu.vector_load_idx %arg9[%add3A_567, %add3A_238] : memref<128x64xf32, #tpu.memory_space<vmem>>[vector<16xi32>, vector<16xi32>], vector<16xf32>,
        %add3A_572 = vector.broadcast %mul3A_565 : i32 to vector<16xi32>
        %add3A_573 = arith.addi %add3A_180, %add3A_572 : vector<16xi32>
        tpu.vector_store_idx %arg14[%add3A_62, %add3A_573], %gather3A_571 : memref<8x1024xf32, #tpu.memory_space<vmem>>[vector<16xi32>, vector<16xi32>], vector<16xf32>,
        %gather3A_574 = tpu.vector_load_idx %arg9[%add3A_567, %add3A_241] : memref<128x64xf32, #tpu.memory_space<vmem>>[vector<16xi32>, vector<16xi32>], vector<16xf32>,
        %add3A_575 = vector.broadcast %mul3A_565 : i32 to vector<16xi32>
        %add3A_576 = arith.addi %add3A_206, %add3A_575 : vector<16xi32>
        tpu.vector_store_idx %arg14[%add3A_96, %add3A_576], %gather3A_574 : memref<8x1024xf32, #tpu.memory_space<vmem>>[vector<16xi32>, vector<16xi32>], vector<16xf32>,
        %gather3A_577 = tpu.vector_load_idx %arg9[%add3A_567, %add3A_244] : memref<128x64xf32, #tpu.memory_space<vmem>>[vector<16xi32>, vector<16xi32>], vector<16xf32>,
        %add3A_578 = vector.broadcast %mul3A_565 : i32 to vector<16xi32>
        %add3A_579 = arith.addi %add3A_232, %add3A_578 : vector<16xi32>
        tpu.vector_store_idx %arg14[%add3A_130, %add3A_579], %gather3A_577 : memref<8x1024xf32, #tpu.memory_space<vmem>>[vector<16xi32>, vector<16xi32>], vector<16xf32>,
      }
      %scan3A_447 = arith.constant 8 : i32
      %dma_start3A_448 = arith.constant 0 : i32
      %dma_start3A_449 = arith.constant 0 : i32
      %dma_start3A_450 = tpu.memref_slice %arg4[%add3A_431, %dma_start3A_448, %add3A, %dma_start3A_449] : memref<50x8x32x1024xf32, #tpu.memory_space<hbm>> -> memref<1x8x1x1024xf32, #tpu.memory_space<hbm>>
      %dma_start3A_451 = tpu.memref_squeeze %dma_start3A_450 : memref<1x8x1x1024xf32, #tpu.memory_space<hbm>> -> memref<8x1024xf32, #tpu.memory_space<hbm>>
      %dma_start3A_452 = arith.constant 0 : i32
      %dma_start3A_453 = arith.constant 0 : i32
      %dma_start3A_454 = tpu.memref_slice %arg4[%add3A_431, %dma_start3A_452, %add3A, %dma_start3A_453] : memref<50x8x32x1024xf32, #tpu.memory_space<hbm>> -> memref<1x8x1x1024xf32, #tpu.memory_space<hbm>>
      %dma_start3A_455 = tpu.memref_squeeze %dma_start3A_454 : memref<1x8x1x1024xf32, #tpu.memory_space<hbm>> -> memref<8x1024xf32, #tpu.memory_space<hbm>>
      tpu.enqueue_dma source(%arg14 : memref<8x1024xf32, #tpu.memory_space<vmem>>) target(%dma_start3A_455 : memref<8x1024xf32, #tpu.memory_space<hbm>>) target_semaphore(%arg24 : memref<!tpu.dma_semaphore, #tpu.memory_space<semaphore_mem>>)
      %lt3A_456 = arith.constant 9 : i32
      %lt3A_457 = arith.cmpi slt, %add3A_331, %lt3A_456 : i32
      %convert_element_type3A_458 = arith.extui %lt3A_457 : i1 to i32
      %cond3A_459 = arith.constant 0 : i32
      %cond3A_460 = arith.cmpi ne, %convert_element_type3A_458, %cond3A_459 : i32
      scf.if %cond3A_460 {
        %add3A_494 = arith.constant 5 : i32
        %add3A_495 = arith.addi %add3A_431, %add3A_494 : i32
        %dma_start3A_496 = arith.constant 0 : i32
        %dma_start3A_497 = tpu.memref_slice %arg5[%add3A_495, %dma_start3A_496] : memref<50x128xi32, #tpu.memory_space<vmem>> -> memref<1x128xi32, #tpu.memory_space<vmem>>
        %dma_start3A_498 = tpu.memref_squeeze %dma_start3A_497 : memref<1x128xi32, #tpu.memory_space<vmem>> -> memref<128xi32, #tpu.memory_space<vmem>>
        %dma_start3A_499 = arith.constant 0 : i32
        %dma_start3A_500 = arith.constant 0 : i32
        %dma_start3A_501 = tpu.memref_slice %arg3[%dma_start3A_499, %dma_start3A_500] : memref<1000001x64xf32, #tpu.memory_space<hbm>> -> memref<1000001x64xf32, #tpu.memory_space<hbm>>
        tpu.enqueue_indirect_dma source(%dma_start3A_501 : memref<1000001x64xf32, #tpu.memory_space<hbm>>) target(%arg9 : memref<128x64xf32, #tpu.memory_space<vmem>>) offsets(%dma_start3A_498 : memref<128xi32, #tpu.memory_space<vmem>>) semaphore(%arg19 : memref<!tpu.dma_semaphore, #tpu.memory_space<semaphore_mem>>)
      } else {
      }
      %mul3A_461 = arith.constant 5 : i32
      %mul3A_462 = arith.muli %mul3A_461, %add3A_331 : i32
      %add3A_463 = arith.constant 4 : i32
      %add3A_464 = arith.addi %mul3A_462, %add3A_463 : i32
      %dma_wait3A_465 = arith.constant 0 : i32
      %dma_wait3A_466 = tpu.memref_slice %arg5[%add3A_464, %dma_wait3A_465] : memref<50x128xi32, #tpu.memory_space<vmem>> -> memref<1x128xi32, #tpu.memory_space<vmem>>
      %dma_wait3A_467 = tpu.memref_squeeze %dma_wait3A_466 : memref<1x128xi32, #tpu.memory_space<vmem>> -> memref<128xi32, #tpu.memory_space<vmem>>
      %dma_wait3A_468 = arith.constant 0 : i32
      %dma_wait3A_469 = arith.constant 0 : i32
      %dma_wait3A_470 = tpu.memref_slice %arg3[%dma_wait3A_468, %dma_wait3A_469] : memref<1000001x64xf32, #tpu.memory_space<hbm>> -> memref<1000001x64xf32, #tpu.memory_space<hbm>>
      tpu.wait_indirect_dma semaphore(%arg20 : memref<!tpu.dma_semaphore, #tpu.memory_space<semaphore_mem>>) src(%dma_wait3A_470 : memref<1000001x64xf32, #tpu.memory_space<hbm>>) dst(%arg10 : memref<128x64xf32, #tpu.memory_space<vmem>>)
      %gt3A_471 = arith.constant 0 : i32
      %gt3A_472 = arith.cmpi sgt, %add3A_331, %gt3A_471 : i32
      %convert_element_type3A_473 = arith.extui %gt3A_472 : i1 to i32
      %cond3A_474 = arith.constant 0 : i32
      %cond3A_475 = arith.cmpi ne, %convert_element_type3A_473, %cond3A_474 : i32
      scf.if %cond3A_475 {
        %sub3A_494 = arith.constant 5 : i32
        %sub3A_495 = arith.subi %add3A_464, %sub3A_494 : i32
        %dma_wait3A_496 = arith.constant 0 : i32
        %dma_wait3A_497 = arith.constant 0 : i32
        %dma_wait3A_498 = tpu.memref_slice %arg4[%sub3A_495, %dma_wait3A_496, %add3A, %dma_wait3A_497] : memref<50x8x32x1024xf32, #tpu.memory_space<hbm>> -> memref<1x8x1x1024xf32, #tpu.memory_space<hbm>>
        %dma_wait3A_499 = tpu.memref_squeeze %dma_wait3A_498 : memref<1x8x1x1024xf32, #tpu.memory_space<hbm>> -> memref<8x1024xf32, #tpu.memory_space<hbm>>
        %dma_wait3A_500 = arith.constant 0 : i32
        %dma_wait3A_501 = arith.constant 0 : i32
        %dma_wait3A_502 = tpu.memref_slice %arg4[%sub3A_495, %dma_wait3A_500, %add3A, %dma_wait3A_501] : memref<50x8x32x1024xf32, #tpu.memory_space<hbm>> -> memref<1x8x1x1024xf32, #tpu.memory_space<hbm>>
        %dma_wait3A_503 = tpu.memref_squeeze %dma_wait3A_502 : memref<1x8x1x1024xf32, #tpu.memory_space<hbm>> -> memref<8x1024xf32, #tpu.memory_space<hbm>>
        tpu.wait_dma2 semaphore(%arg25 : memref<!tpu.dma_semaphore, #tpu.memory_space<semaphore_mem>>) src(%arg15 : memref<8x1024xf32, #tpu.memory_space<vmem>>) dst(%dma_wait3A_503 : memref<8x1024xf32, #tpu.memory_space<hbm>>)
      } else {
      }
      %scan3A_476 = arith.constant 0 : i32
      %scan3A_477 = arith.constant 8 : i32
      %scan3A_478 = arith.addi %scan3A_476, %scan3A_477 : i32
      %scan3A_479 = arith.constant 4 : i32
      scf.for %scan3A_494 = %scan3A_476 to %scan3A_478 step %scan3A_479  : i32 {
        %mul3A_495 = arith.constant 1 : i32
        %mul3A_496 = arith.muli %scan3A_494, %mul3A_495 : i32
        %add3A_497 = arith.constant 0 : i32
        %add3A_498 = arith.addi %add3A_497, %mul3A_496 : i32
        %mul3A_499 = arith.constant 16 : i32
        %mul3A_500 = arith.muli %add3A_498, %mul3A_499 : i32
        %add3A_501 = vector.broadcast %mul3A_500 : i32 to vector<16xi32>
        %add3A_502 = arith.addi %iota3A, %add3A_501 : vector<16xi32>
        %gather3A = tpu.vector_load_idx %arg10[%add3A_502, %add3A_235] : memref<128x64xf32, #tpu.memory_space<vmem>>[vector<16xi32>, vector<16xi32>], vector<16xf32>,
        %add3A_503 = vector.broadcast %mul3A_500 : i32 to vector<16xi32>
        %add3A_504 = arith.addi %add3A_154, %add3A_503 : vector<16xi32>
        tpu.vector_store_idx %arg15[%add3A_28, %add3A_504], %gather3A : memref<8x1024xf32, #tpu.memory_space<vmem>>[vector<16xi32>, vector<16xi32>], vector<16xf32>,
        %gather3A_505 = tpu.vector_load_idx %arg10[%add3A_502, %add3A_238] : memref<128x64xf32, #tpu.memory_space<vmem>>[vector<16xi32>, vector<16xi32>], vector<16xf32>,
        %add3A_506 = vector.broadcast %mul3A_500 : i32 to vector<16xi32>
        %add3A_507 = arith.addi %add3A_180, %add3A_506 : vector<16xi32>
        tpu.vector_store_idx %arg15[%add3A_62, %add3A_507], %gather3A_505 : memref<8x1024xf32, #tpu.memory_space<vmem>>[vector<16xi32>, vector<16xi32>], vector<16xf32>,
        %gather3A_508 = tpu.vector_load_idx %arg10[%add3A_502, %add3A_241] : memref<128x64xf32, #tpu.memory_space<vmem>>[vector<16xi32>, vector<16xi32>], vector<16xf32>,
        %add3A_509 = vector.broadcast %mul3A_500 : i32 to vector<16xi32>
        %add3A_510 = arith.addi %add3A_206, %add3A_509 : vector<16xi32>
        tpu.vector_store_idx %arg15[%add3A_96, %add3A_510], %gather3A_508 : memref<8x1024xf32, #tpu.memory_space<vmem>>[vector<16xi32>, vector<16xi32>], vector<16xf32>,
        %gather3A_511 = tpu.vector_load_idx %arg10[%add3A_502, %add3A_244] : memref<128x64xf32, #tpu.memory_space<vmem>>[vector<16xi32>, vector<16xi32>], vector<16xf32>,
        %add3A_512 = vector.broadcast %mul3A_500 : i32 to vector<16xi32>
        %add3A_513 = arith.addi %add3A_232, %add3A_512 : vector<16xi32>
        tpu.vector_store_idx %arg15[%add3A_130, %add3A_513], %gather3A_511 : memref<8x1024xf32, #tpu.memory_space<vmem>>[vector<16xi32>, vector<16xi32>], vector<16xf32>,
        %scan3A_514 = arith.constant 1 : i32
        %scan3A_515 = arith.addi %scan3A_494, %scan3A_514 : i32
        %mul3A_516 = arith.constant 1 : i32
        %mul3A_517 = arith.muli %scan3A_515, %mul3A_516 : i32
        %add3A_518 = arith.constant 0 : i32
        %add3A_519 = arith.addi %add3A_518, %mul3A_517 : i32
        %mul3A_520 = arith.constant 16 : i32
        %mul3A_521 = arith.muli %add3A_519, %mul3A_520 : i32
        %add3A_522 = vector.broadcast %mul3A_521 : i32 to vector<16xi32>
        %add3A_523 = arith.addi %iota3A, %add3A_522 : vector<16xi32>
        %gather3A_524 = tpu.vector_load_idx %arg10[%add3A_523, %add3A_235] : memref<128x64xf32, #tpu.memory_space<vmem>>[vector<16xi32>, vector<16xi32>], vector<16xf32>,
        %add3A_525 = vector.broadcast %mul3A_521 : i32 to vector<16xi32>
        %add3A_526 = arith.addi %add3A_154, %add3A_525 : vector<16xi32>
        tpu.vector_store_idx %arg15[%add3A_28, %add3A_526], %gather3A_524 : memref<8x1024xf32, #tpu.memory_space<vmem>>[vector<16xi32>, vector<16xi32>], vector<16xf32>,
        %gather3A_527 = tpu.vector_load_idx %arg10[%add3A_523, %add3A_238] : memref<128x64xf32, #tpu.memory_space<vmem>>[vector<16xi32>, vector<16xi32>], vector<16xf32>,
        %add3A_528 = vector.broadcast %mul3A_521 : i32 to vector<16xi32>
        %add3A_529 = arith.addi %add3A_180, %add3A_528 : vector<16xi32>
        tpu.vector_store_idx %arg15[%add3A_62, %add3A_529], %gather3A_527 : memref<8x1024xf32, #tpu.memory_space<vmem>>[vector<16xi32>, vector<16xi32>], vector<16xf32>,
        %gather3A_530 = tpu.vector_load_idx %arg10[%add3A_523, %add3A_241] : memref<128x64xf32, #tpu.memory_space<vmem>>[vector<16xi32>, vector<16xi32>], vector<16xf32>,
        %add3A_531 = vector.broadcast %mul3A_521 : i32 to vector<16xi32>
        %add3A_532 = arith.addi %add3A_206, %add3A_531 : vector<16xi32>
        tpu.vector_store_idx %arg15[%add3A_96, %add3A_532], %gather3A_530 : memref<8x1024xf32, #tpu.memory_space<vmem>>[vector<16xi32>, vector<16xi32>], vector<16xf32>,
        %gather3A_533 = tpu.vector_load_idx %arg10[%add3A_523, %add3A_244] : memref<128x64xf32, #tpu.memory_space<vmem>>[vector<16xi32>, vector<16xi32>], vector<16xf32>,
        %add3A_534 = vector.broadcast %mul3A_521 : i32 to vector<16xi32>
        %add3A_535 = arith.addi %add3A_232, %add3A_534 : vector<16xi32>
        tpu.vector_store_idx %arg15[%add3A_130, %add3A_535], %gather3A_533 : memref<8x1024xf32, #tpu.memory_space<vmem>>[vector<16xi32>, vector<16xi32>], vector<16xf32>,
        %scan3A_536 = arith.constant 2 : i32
        %scan3A_537 = arith.addi %scan3A_494, %scan3A_536 : i32
        %mul3A_538 = arith.constant 1 : i32
        %mul3A_539 = arith.muli %scan3A_537, %mul3A_538 : i32
        %add3A_540 = arith.constant 0 : i32
        %add3A_541 = arith.addi %add3A_540, %mul3A_539 : i32
        %mul3A_542 = arith.constant 16 : i32
        %mul3A_543 = arith.muli %add3A_541, %mul3A_542 : i32
        %add3A_544 = vector.broadcast %mul3A_543 : i32 to vector<16xi32>
        %add3A_545 = arith.addi %iota3A, %add3A_544 : vector<16xi32>
        %gather3A_546 = tpu.vector_load_idx %arg10[%add3A_545, %add3A_235] : memref<128x64xf32, #tpu.memory_space<vmem>>[vector<16xi32>, vector<16xi32>], vector<16xf32>,
        %add3A_547 = vector.broadcast %mul3A_543 : i32 to vector<16xi32>
        %add3A_548 = arith.addi %add3A_154, %add3A_547 : vector<16xi32>
        tpu.vector_store_idx %arg15[%add3A_28, %add3A_548], %gather3A_546 : memref<8x1024xf32, #tpu.memory_space<vmem>>[vector<16xi32>, vector<16xi32>], vector<16xf32>,
        %gather3A_549 = tpu.vector_load_idx %arg10[%add3A_545, %add3A_238] : memref<128x64xf32, #tpu.memory_space<vmem>>[vector<16xi32>, vector<16xi32>], vector<16xf32>,
        %add3A_550 = vector.broadcast %mul3A_543 : i32 to vector<16xi32>
        %add3A_551 = arith.addi %add3A_180, %add3A_550 : vector<16xi32>
        tpu.vector_store_idx %arg15[%add3A_62, %add3A_551], %gather3A_549 : memref<8x1024xf32, #tpu.memory_space<vmem>>[vector<16xi32>, vector<16xi32>], vector<16xf32>,
        %gather3A_552 = tpu.vector_load_idx %arg10[%add3A_545, %add3A_241] : memref<128x64xf32, #tpu.memory_space<vmem>>[vector<16xi32>, vector<16xi32>], vector<16xf32>,
        %add3A_553 = vector.broadcast %mul3A_543 : i32 to vector<16xi32>
        %add3A_554 = arith.addi %add3A_206, %add3A_553 : vector<16xi32>
        tpu.vector_store_idx %arg15[%add3A_96, %add3A_554], %gather3A_552 : memref<8x1024xf32, #tpu.memory_space<vmem>>[vector<16xi32>, vector<16xi32>], vector<16xf32>,
        %gather3A_555 = tpu.vector_load_idx %arg10[%add3A_545, %add3A_244] : memref<128x64xf32, #tpu.memory_space<vmem>>[vector<16xi32>, vector<16xi32>], vector<16xf32>,
        %add3A_556 = vector.broadcast %mul3A_543 : i32 to vector<16xi32>
        %add3A_557 = arith.addi %add3A_232, %add3A_556 : vector<16xi32>
        tpu.vector_store_idx %arg15[%add3A_130, %add3A_557], %gather3A_555 : memref<8x1024xf32, #tpu.memory_space<vmem>>[vector<16xi32>, vector<16xi32>], vector<16xf32>,
        %scan3A_558 = arith.constant 3 : i32
        %scan3A_559 = arith.addi %scan3A_494, %scan3A_558 : i32
        %mul3A_560 = arith.constant 1 : i32
        %mul3A_561 = arith.muli %scan3A_559, %mul3A_560 : i32
        %add3A_562 = arith.constant 0 : i32
        %add3A_563 = arith.addi %add3A_562, %mul3A_561 : i32
        %mul3A_564 = arith.constant 16 : i32
        %mul3A_565 = arith.muli %add3A_563, %mul3A_564 : i32
        %add3A_566 = vector.broadcast %mul3A_565 : i32 to vector<16xi32>
        %add3A_567 = arith.addi %iota3A, %add3A_566 : vector<16xi32>
        %gather3A_568 = tpu.vector_load_idx %arg10[%add3A_567, %add3A_235] : memref<128x64xf32, #tpu.memory_space<vmem>>[vector<16xi32>, vector<16xi32>], vector<16xf32>,
        %add3A_569 = vector.broadcast %mul3A_565 : i32 to vector<16xi32>
        %add3A_570 = arith.addi %add3A_154, %add3A_569 : vector<16xi32>
        tpu.vector_store_idx %arg15[%add3A_28, %add3A_570], %gather3A_568 : memref<8x1024xf32, #tpu.memory_space<vmem>>[vector<16xi32>, vector<16xi32>], vector<16xf32>,
        %gather3A_571 = tpu.vector_load_idx %arg10[%add3A_567, %add3A_238] : memref<128x64xf32, #tpu.memory_space<vmem>>[vector<16xi32>, vector<16xi32>], vector<16xf32>,
        %add3A_572 = vector.broadcast %mul3A_565 : i32 to vector<16xi32>
        %add3A_573 = arith.addi %add3A_180, %add3A_572 : vector<16xi32>
        tpu.vector_store_idx %arg15[%add3A_62, %add3A_573], %gather3A_571 : memref<8x1024xf32, #tpu.memory_space<vmem>>[vector<16xi32>, vector<16xi32>], vector<16xf32>,
        %gather3A_574 = tpu.vector_load_idx %arg10[%add3A_567, %add3A_241] : memref<128x64xf32, #tpu.memory_space<vmem>>[vector<16xi32>, vector<16xi32>], vector<16xf32>,
        %add3A_575 = vector.broadcast %mul3A_565 : i32 to vector<16xi32>
        %add3A_576 = arith.addi %add3A_206, %add3A_575 : vector<16xi32>
        tpu.vector_store_idx %arg15[%add3A_96, %add3A_576], %gather3A_574 : memref<8x1024xf32, #tpu.memory_space<vmem>>[vector<16xi32>, vector<16xi32>], vector<16xf32>,
        %gather3A_577 = tpu.vector_load_idx %arg10[%add3A_567, %add3A_244] : memref<128x64xf32, #tpu.memory_space<vmem>>[vector<16xi32>, vector<16xi32>], vector<16xf32>,
        %add3A_578 = vector.broadcast %mul3A_565 : i32 to vector<16xi32>
        %add3A_579 = arith.addi %add3A_232, %add3A_578 : vector<16xi32>
        tpu.vector_store_idx %arg15[%add3A_130, %add3A_579], %gather3A_577 : memref<8x1024xf32, #tpu.memory_space<vmem>>[vector<16xi32>, vector<16xi32>], vector<16xf32>,
      }
      %scan3A_480 = arith.constant 8 : i32
      %dma_start3A_481 = arith.constant 0 : i32
      %dma_start3A_482 = arith.constant 0 : i32
      %dma_start3A_483 = tpu.memref_slice %arg4[%add3A_464, %dma_start3A_481, %add3A, %dma_start3A_482] : memref<50x8x32x1024xf32, #tpu.memory_space<hbm>> -> memref<1x8x1x1024xf32, #tpu.memory_space<hbm>>
      %dma_start3A_484 = tpu.memref_squeeze %dma_start3A_483 : memref<1x8x1x1024xf32, #tpu.memory_space<hbm>> -> memref<8x1024xf32, #tpu.memory_space<hbm>>
      %dma_start3A_485 = arith.constant 0 : i32
      %dma_start3A_486 = arith.constant 0 : i32
      %dma_start3A_487 = tpu.memref_slice %arg4[%add3A_464, %dma_start3A_485, %add3A, %dma_start3A_486] : memref<50x8x32x1024xf32, #tpu.memory_space<hbm>> -> memref<1x8x1x1024xf32, #tpu.memory_space<hbm>>
      %dma_start3A_488 = tpu.memref_squeeze %dma_start3A_487 : memref<1x8x1x1024xf32, #tpu.memory_space<hbm>> -> memref<8x1024xf32, #tpu.memory_space<hbm>>
      tpu.enqueue_dma source(%arg15 : memref<8x1024xf32, #tpu.memory_space<vmem>>) target(%dma_start3A_488 : memref<8x1024xf32, #tpu.memory_space<hbm>>) target_semaphore(%arg25 : memref<!tpu.dma_semaphore, #tpu.memory_space<semaphore_mem>>)
      %lt3A_489 = arith.constant 9 : i32
      %lt3A_490 = arith.cmpi slt, %add3A_331, %lt3A_489 : i32
      %convert_element_type3A_491 = arith.extui %lt3A_490 : i1 to i32
      %cond3A_492 = arith.constant 0 : i32
      %cond3A_493 = arith.cmpi ne, %convert_element_type3A_491, %cond3A_492 : i32
      scf.if %cond3A_493 {
        %add3A_494 = arith.constant 5 : i32
        %add3A_495 = arith.addi %add3A_464, %add3A_494 : i32
        %dma_start3A_496 = arith.constant 0 : i32
        %dma_start3A_497 = tpu.memref_slice %arg5[%add3A_495, %dma_start3A_496] : memref<50x128xi32, #tpu.memory_space<vmem>> -> memref<1x128xi32, #tpu.memory_space<vmem>>
        %dma_start3A_498 = tpu.memref_squeeze %dma_start3A_497 : memref<1x128xi32, #tpu.memory_space<vmem>> -> memref<128xi32, #tpu.memory_space<vmem>>
        %dma_start3A_499 = arith.constant 0 : i32
        %dma_start3A_500 = arith.constant 0 : i32
        %dma_start3A_501 = tpu.memref_slice %arg3[%dma_start3A_499, %dma_start3A_500] : memref<1000001x64xf32, #tpu.memory_space<hbm>> -> memref<1000001x64xf32, #tpu.memory_space<hbm>>
        tpu.enqueue_indirect_dma source(%dma_start3A_501 : memref<1000001x64xf32, #tpu.memory_space<hbm>>) target(%arg10 : memref<128x64xf32, #tpu.memory_space<vmem>>) offsets(%dma_start3A_498 : memref<128xi32, #tpu.memory_space<vmem>>) semaphore(%arg20 : memref<!tpu.dma_semaphore, #tpu.memory_space<semaphore_mem>>)
      } else {
      }
    }
    %scan3A_282 = arith.constant 10 : i32
    %dma_wait3A = arith.constant 45 : i32
    %dma_wait3A_283 = arith.constant 0 : i32
    %dma_wait3A_284 = arith.constant 0 : i32
    %dma_wait3A_285 = tpu.memref_slice %arg4[%dma_wait3A, %dma_wait3A_283, %add3A, %dma_wait3A_284] : memref<50x8x32x1024xf32, #tpu.memory_space<hbm>> -> memref<1x8x1x1024xf32, #tpu.memory_space<hbm>>
    %dma_wait3A_286 = tpu.memref_squeeze %dma_wait3A_285 : memref<1x8x1x1024xf32, #tpu.memory_space<hbm>> -> memref<8x1024xf32, #tpu.memory_space<hbm>>
    %dma_wait3A_287 = arith.constant 0 : i32
    %dma_wait3A_288 = arith.constant 0 : i32
    %dma_wait3A_289 = tpu.memref_slice %arg4[%dma_wait3A, %dma_wait3A_287, %add3A, %dma_wait3A_288] : memref<50x8x32x1024xf32, #tpu.memory_space<hbm>> -> memref<1x8x1x1024xf32, #tpu.memory_space<hbm>>
    %dma_wait3A_290 = tpu.memref_squeeze %dma_wait3A_289 : memref<1x8x1x1024xf32, #tpu.memory_space<hbm>> -> memref<8x1024xf32, #tpu.memory_space<hbm>>
    tpu.wait_dma2 semaphore(%arg21 : memref<!tpu.dma_semaphore, #tpu.memory_space<semaphore_mem>>) src(%arg11 : memref<8x1024xf32, #tpu.memory_space<vmem>>) dst(%dma_wait3A_290 : memref<8x1024xf32, #tpu.memory_space<hbm>>)
    %dma_wait3A_291 = arith.constant 46 : i32
    %dma_wait3A_292 = arith.constant 0 : i32
    %dma_wait3A_293 = arith.constant 0 : i32
    %dma_wait3A_294 = tpu.memref_slice %arg4[%dma_wait3A_291, %dma_wait3A_292, %add3A, %dma_wait3A_293] : memref<50x8x32x1024xf32, #tpu.memory_space<hbm>> -> memref<1x8x1x1024xf32, #tpu.memory_space<hbm>>
    %dma_wait3A_295 = tpu.memref_squeeze %dma_wait3A_294 : memref<1x8x1x1024xf32, #tpu.memory_space<hbm>> -> memref<8x1024xf32, #tpu.memory_space<hbm>>
    %dma_wait3A_296 = arith.constant 0 : i32
    %dma_wait3A_297 = arith.constant 0 : i32
    %dma_wait3A_298 = tpu.memref_slice %arg4[%dma_wait3A_291, %dma_wait3A_296, %add3A, %dma_wait3A_297] : memref<50x8x32x1024xf32, #tpu.memory_space<hbm>> -> memref<1x8x1x1024xf32, #tpu.memory_space<hbm>>
    %dma_wait3A_299 = tpu.memref_squeeze %dma_wait3A_298 : memref<1x8x1x1024xf32, #tpu.memory_space<hbm>> -> memref<8x1024xf32, #tpu.memory_space<hbm>>
    tpu.wait_dma2 semaphore(%arg22 : memref<!tpu.dma_semaphore, #tpu.memory_space<semaphore_mem>>) src(%arg12 : memref<8x1024xf32, #tpu.memory_space<vmem>>) dst(%dma_wait3A_299 : memref<8x1024xf32, #tpu.memory_space<hbm>>)
    %dma_wait3A_300 = arith.constant 47 : i32
    %dma_wait3A_301 = arith.constant 0 : i32
    %dma_wait3A_302 = arith.constant 0 : i32
    %dma_wait3A_303 = tpu.memref_slice %arg4[%dma_wait3A_300, %dma_wait3A_301, %add3A, %dma_wait3A_302] : memref<50x8x32x1024xf32, #tpu.memory_space<hbm>> -> memref<1x8x1x1024xf32, #tpu.memory_space<hbm>>
    %dma_wait3A_304 = tpu.memref_squeeze %dma_wait3A_303 : memref<1x8x1x1024xf32, #tpu.memory_space<hbm>> -> memref<8x1024xf32, #tpu.memory_space<hbm>>
    %dma_wait3A_305 = arith.constant 0 : i32
    %dma_wait3A_306 = arith.constant 0 : i32
    %dma_wait3A_307 = tpu.memref_slice %arg4[%dma_wait3A_300, %dma_wait3A_305, %add3A, %dma_wait3A_306] : memref<50x8x32x1024xf32, #tpu.memory_space<hbm>> -> memref<1x8x1x1024xf32, #tpu.memory_space<hbm>>
    %dma_wait3A_308 = tpu.memref_squeeze %dma_wait3A_307 : memref<1x8x1x1024xf32, #tpu.memory_space<hbm>> -> memref<8x1024xf32, #tpu.memory_space<hbm>>
    tpu.wait_dma2 semaphore(%arg23 : memref<!tpu.dma_semaphore, #tpu.memory_space<semaphore_mem>>) src(%arg13 : memref<8x1024xf32, #tpu.memory_space<vmem>>) dst(%dma_wait3A_308 : memref<8x1024xf32, #tpu.memory_space<hbm>>)
    %dma_wait3A_309 = arith.constant 48 : i32
    %dma_wait3A_310 = arith.constant 0 : i32
    %dma_wait3A_311 = arith.constant 0 : i32
    %dma_wait3A_312 = tpu.memref_slice %arg4[%dma_wait3A_309, %dma_wait3A_310, %add3A, %dma_wait3A_311] : memref<50x8x32x1024xf32, #tpu.memory_space<hbm>> -> memref<1x8x1x1024xf32, #tpu.memory_space<hbm>>
    %dma_wait3A_313 = tpu.memref_squeeze %dma_wait3A_312 : memref<1x8x1x1024xf32, #tpu.memory_space<hbm>> -> memref<8x1024xf32, #tpu.memory_space<hbm>>
    %dma_wait3A_314 = arith.constant 0 : i32
    %dma_wait3A_315 = arith.constant 0 : i32
    %dma_wait3A_316 = tpu.memref_slice %arg4[%dma_wait3A_309, %dma_wait3A_314, %add3A, %dma_wait3A_315] : memref<50x8x32x1024xf32, #tpu.memory_space<hbm>> -> memref<1x8x1x1024xf32, #tpu.memory_space<hbm>>
    %dma_wait3A_317 = tpu.memref_squeeze %dma_wait3A_316 : memref<1x8x1x1024xf32, #tpu.memory_space<hbm>> -> memref<8x1024xf32, #tpu.memory_space<hbm>>
    tpu.wait_dma2 semaphore(%arg24 : memref<!tpu.dma_semaphore, #tpu.memory_space<semaphore_mem>>) src(%arg14 : memref<8x1024xf32, #tpu.memory_space<vmem>>) dst(%dma_wait3A_317 : memref<8x1024xf32, #tpu.memory_space<hbm>>)
    %dma_wait3A_318 = arith.constant 49 : i32
    %dma_wait3A_319 = arith.constant 0 : i32
    %dma_wait3A_320 = arith.constant 0 : i32
    %dma_wait3A_321 = tpu.memref_slice %arg4[%dma_wait3A_318, %dma_wait3A_319, %add3A, %dma_wait3A_320] : memref<50x8x32x1024xf32, #tpu.memory_space<hbm>> -> memref<1x8x1x1024xf32, #tpu.memory_space<hbm>>
    %dma_wait3A_322 = tpu.memref_squeeze %dma_wait3A_321 : memref<1x8x1x1024xf32, #tpu.memory_space<hbm>> -> memref<8x1024xf32, #tpu.memory_space<hbm>>
    %dma_wait3A_323 = arith.constant 0 : i32
    %dma_wait3A_324 = arith.constant 0 : i32
    %dma_wait3A_325 = tpu.memref_slice %arg4[%dma_wait3A_318, %dma_wait3A_323, %add3A, %dma_wait3A_324] : memref<50x8x32x1024xf32, #tpu.memory_space<hbm>> -> memref<1x8x1x1024xf32, #tpu.memory_space<hbm>>
    %dma_wait3A_326 = tpu.memref_squeeze %dma_wait3A_325 : memref<1x8x1x1024xf32, #tpu.memory_space<hbm>> -> memref<8x1024xf32, #tpu.memory_space<hbm>>
    tpu.wait_dma2 semaphore(%arg25 : memref<!tpu.dma_semaphore, #tpu.memory_space<semaphore_mem>>) src(%arg15 : memref<8x1024xf32, #tpu.memory_space<vmem>>) dst(%dma_wait3A_326 : memref<8x1024xf32, #tpu.memory_space<hbm>>)
    return
  }
}

</mosaic_0001>

<sc_bundles>
// kernel: kernel.3.cloned.1.call-start
scs
__scs_entry_jumppad:
0x0: {  	(pc) =	sbr.rel $0x88, $3  }
0x1: {  	(tag) =	ssettag $0x0;
	lr =	simm.s32 $0x1  }
0x2: {  	[smem:$0x3F9F] =	sst lr;
	_ =	strace $0xD0000000  }
0x3: {  	_ = 	snop  }
0x4: {  	_ = 	snop  }
0x5: {  	_ = 	snop  }
0x6: {  	_ = 	snop  }
0x7: {  	_ = 	snop  }
__scs_overlays_trampoline_lowered:
0x8: {  	[smem:$0x3FAE] =	sst s0  }
0x9: {  	[smem:$0x3FAF] =	sst s1  }
0xa: {  	[smem:$0x3FB0] =	sst s2  }
0xb: {  	[smem:$0x3FB1] =	sst s3  }
0xc: {  	[smem:$0x3FB2] =	sst s4  }
0xd: {  	[smem:$0x3FB3] =	sst s5  }
0xe: {  	[smem:$0x3FB4] =	sst s6  }
0xf: {  	[smem:$0x3FB5] =	sst s7  }
0x10: {  	[smem:$0x3FB6] =	sst s8  }
0x11: {  	[smem:$0x3FB7] =	sst s9;
	s0 =	simm.s32 @!p0 $0x0  }
0x12: {  	s1 =	sld [smem:$0x3F9D];
	s0 =	simm.s32 @p0 $0x1  }
0x13: {  	[smem:$0x3FB8] =	sst s0;
	s0 =	simm.s32 @!p1 $0x0  }
0x14: {  	s2 =	sld [smem:$0x3F9C];
	s0 =	simm.s32 @p1 $0x1  }
0x15: {  	[smem:$0x3FB9] =	sst s0;
	s0 =	simm.s32 @!p2 $0x0  }
0x16: {  	s3 =	sld [smem:$0x3FDB];
	s0 =	simm.s32 @p2 $0x1  }
0x17: {  	s4 =	simm.s32 $0x1BF5;
	[smem:$0x3FBB] =	sst s0  }
0x18: {  	s0 =	sld [smem:$0x3F9E];
	_ =	swait.ge [sflag:s4], $0x0  }
0x19: {  	s7 =	sld [smem:$0x3F9F]  }
0x1a: {  	s8 =	sadd.s32 $0xFFFFE003, lr  }
0x1b: {  	s9 =	sadd.s32 $0xFFFFFEF7, lr;
	s5 =	simm.s32 $0xFFFFFFFF;
	p2 =	slt.u32 s8, $0xFFFFF086  }
0x1c: {  	p1 =	slt.u32 s9, $0xF7A;
	s5 =	simm.s32 @!p2 $0x0  }
0x1d: {  	s5 =	simm.s32 @p1 $0x1;
	p0 =	seq.s32 s7, s2  }
0x1e: {  	s7 =	smul.u32 @!p0 $0xF7A, s2;
	p2 =	seq.s32 @!p0 s5, $0x0  }
0x1f: {  	s9 =	smul.u32 $0xF7A, s1;
	s8 =	simm.s32 @!p0 $0x1BF5;
	p2 =	por !p2, p0  }
0x20: {  	[sflag:s8] =	ssyncset.s32 @!p0 $0xFFFFF086;
	s6 =	sadd.s32 @!p0 s3, s7;
	s7 =	simm.s32 @!p0 $0x108  }
0x21: {  	s3 =	sadd.s32 s3, s9;
	s6 =	sadd.s32 @!p0 $0x88, s6;
	s7 =	simm.s32 @p2 $0x1082  }
0x22: {  	[simem:s7], [sflag:s8] =	dma.local @!p0 [hbm:s6], $0xF7A  }
0x23: {  	s9 =	sor.u32 $0xD0000000, s2;
	s6 =	simm.s32 $0x108;
	_ =	swait.ge @!p0 [sflag:s8], $0x0  }
0x24: {  	s3 =	sadd.s32 $0x88, s3;
	s6 =	simm.s32 @!p1 $0x1082;
	[sflag:s4] =	ssyncset.s32 $0xFFFFF086  }
0x25: {  	[simem:s6], [sflag:s4] =	dma.local [hbm:s3], $0xF7A  }
0x26: {  	[smem:$0x3F9F] =	sst s1;
	(tag) =	ssettag s2;
	_ =	strace s9  }
0x27: {  	s1 =	sld [smem:$0x3FAF]  }
0x28: {  	s2 =	sld [smem:$0x3FB0]  }
0x29: {  	s4 =	sld [smem:$0x3FB2]  }
0x2a: {  	p0 =	seq.s32 s5, $0x0;
	s5 =	sld [smem:$0x3FB3]  }
0x2b: {  	s6 =	sld [smem:$0x3FB4]  }
0x2c: {  	s7 =	sld [smem:$0x3FB5]  }
0x2d: {  	s3 =	simm.s32 $0x108;
	s8 =	sld [smem:$0x3FB6]  }
0x2e: {  	s3 =	simm.s32 @!p0 $0x1082;
	s9 =	sld [smem:$0x3FB7]  }
0x2f: {  	lr =	sadd.s32 s0, s3;
	s0 =	sld [smem:$0x3FAE]  }
0x30: {  	s3 =	sld [smem:$0x3FB1]  }
0x31: {  	[smem:$0x3FBA] =	sst s10  }
0x32: {  	s10 =	sld [smem:$0x3FB8];
	_ =	sdelay $0x3  }
0x33: {  	p0 =	seq.s32 s10, $0x1;
	s10 =	sld [smem:$0x3FBA];
	_ =	sdelay $0x3  }
0x34: {  	[smem:$0x3FBA] =	sst s10  }
0x35: {  	s10 =	sld [smem:$0x3FB9];
	_ =	sdelay $0x3  }
0x36: {  	p1 =	seq.s32 s10, $0x1;
	s10 =	sld [smem:$0x3FBA];
	_ =	sdelay $0x3  }
0x37: {  	[smem:$0x3FBA] =	sst s10  }
0x38: {  	s10 =	sld [smem:$0x3FBB]  }
0x39: {  	_ = 	snop;
	(pc) =	sbr.ind lr, $3  }
0x3a: {  	_ = 	snop  }
0x3b: {  	_ = 	snop  }
0x3c: {  	p2 =	seq.s32 s10, $0x1;
	s10 =	sld [smem:$0x3FBA]  }
0x3d: {  	_ =	shalt  }
0x3e: {  	_ =	shalt  }
0x3f: {  	_ =	shalt  }
0x40: {  	_ =	shalt  }
0x41: {  	_ =	shalt  }
0x42: {  	_ =	shalt  }
0x43: {  	_ =	shalt  }
0x44: {  	_ =	shalt  }
0x45: {  	_ =	shalt  }
0x46: {  	_ =	shalt  }
0x47: {  	_ =	shalt  }
0x48: {  	_ =	shalt  }
0x49: {  	_ =	shalt  }
0x4a: {  	_ =	shalt  }
0x4b: {  	_ =	shalt  }
0x4c: {  	_ =	shalt  }
0x4d: {  	_ =	shalt  }
0x4e: {  	_ =	shalt  }
0x4f: {  	_ =	shalt  }
0x50: {  	_ =	shalt  }
0x51: {  	_ =	shalt  }
0x52: {  	_ =	shalt  }
0x53: {  	_ =	shalt  }
0x54: {  	_ =	shalt  }
0x55: {  	_ =	shalt  }
0x56: {  	_ =	shalt  }
0x57: {  	_ =	shalt  }
0x58: {  	_ =	shalt  }
0x59: {  	_ =	shalt  }
0x5a: {  	_ =	shalt  }
0x5b: {  	_ =	shalt  }
0x5c: {  	_ =	shalt  }
0x5d: {  	_ =	shalt  }
0x5e: {  	_ =	shalt  }
0x5f: {  	_ =	shalt  }
0x60: {  	_ =	shalt  }
0x61: {  	_ =	shalt  }
0x62: {  	_ =	shalt  }
0x63: {  	_ =	shalt  }
0x64: {  	_ =	shalt  }
0x65: {  	_ =	shalt  }
0x66: {  	_ =	shalt  }
0x67: {  	_ =	shalt  }
0x68: {  	_ =	shalt  }
0x69: {  	_ =	shalt  }
0x6a: {  	_ =	shalt  }
0x6b: {  	_ =	shalt  }
0x6c: {  	_ =	shalt  }
0x6d: {  	_ =	shalt  }
0x6e: {  	_ =	shalt  }
0x6f: {  	_ =	shalt  }
0x70: {  	_ =	shalt  }
0x71: {  	_ =	shalt  }
0x72: {  	_ =	shalt  }
0x73: {  	_ =	shalt  }
0x74: {  	_ =	shalt  }
0x75: {  	_ =	shalt  }
0x76: {  	_ =	shalt  }
0x77: {  	_ =	shalt  }
0x78: {  	_ =	shalt  }
0x79: {  	_ =	shalt  }
0x7a: {  	_ =	shalt  }
0x7b: {  	_ =	shalt  }
0x7c: {  	_ =	shalt  }
0x7d: {  	_ =	shalt  }
0x7e: {  	_ =	shalt  }
0x7f: {  	_ =	shalt  }
0x80: {  	_ =	shalt  }
0x81: {  	_ =	shalt  }
0x82: {  	_ =	shalt  }
0x83: {  	_ =	shalt  }
0x84: {  	_ =	shalt  }
0x85: {  	_ =	shalt  }
0x86: {  	_ =	shalt  }
0x87: {  	_ =	shalt  }
.Lfunc_end0:
.L_simem_size_0:
called_computation_lowered:
.L_overlay_start_0:
0x88: {  	s2 =	sld [smem:$0x3FD9]  }
0x89: {  	s3 =	sld [smem:$0x3FFE];
	_ =	sdelay $0x1  }
0x8a: {  	s1 =	srdreg.scid  }
0x8b: {  	s0 =	sand.u32 $0x1, s1  }
0x8c: {  	s17 =	sshll.u32 s0, $0xA;
	s2 =	sadd.s32 s3, s2  }
0x8d: {  	s2 =	sadd.s32 s2, s17  }
0x8e: {  	[smem:$0x3FC6] =	sst s2  }
0x8f: {  	_ = 	snop  }
0x90: {  	s2 =	sld [smem:$0x3FD0];
	(tm) =	ssettm $0x1  }
0x91: {  	s18 =	sld [smem:$0x3FFB];
	_ =	sdelay $0x3  }
0x92: {  	_ =	strace s18  }
0x93: {  	s3 =	sld [smem:$0x3FFC];
	_ =	sdelay $0x3  }
0x94: {  	_ =	strace s3  }
0x95: {  	s3 =	sld [smem:$0x3FFD];
	_ =	sdelay $0x3  }
0x96: {  	_ =	strace s3  }
0x97: {  	_ =	strace $0x8FFFFFFF  }
0x98: {  	s19 =	sld [smem:$0x3FDB];
	_ =	sdelay $0x1  }
0x99: {  	s4 =	simm.s32 $_scs_section_size  }
0x9a: {  	s5 =	simm.s32 $_size__tile_overlayer_lowered;
	s6 =	simm.s32 $_tile_overlayer_lowered  }
0x9b: {  	s22 =	simm.s32 $0x1BFF;
	s21 =	sshll.u32 s6, $0x1;
	s3 =	sadd.s32 s4, s19  }
0x9c: {  	s7 =	simm.s32 $0x0;
	s20 =	sshll.u32 s5, $0x1;
	s5 =	sadd.s32 s21, s3  }
0x9d: {  	[timem:s7], [sflag:s22] =	dma.local [hbm:s5], s20  }
0x9e: {  	_ =	swait.ge [sflag:s22], s20  }
0x9f: {  	s4 =	ssub.s32 $0x0, s20;
	[sflag:s22] =	ssyncset.done $0x0  }
0xa0: {  	[sflag:s22] =	ssyncadd.s32 s4;
	_ =	sdelay $0x1  }
0xa1: {  	s23 =	simm.s32 $0x1B8B  }
0xa2: {  	_ =	swait.ge [sflag:s23], $0x1  }
0xa3: {  	[sflag:s23] =	ssyncset.done $0x0  }
0xa4: {  	s25 =	simm.s32 $0x1B8E;
	s24 =	sld [smem:$0x3FFE];
	[sflag:s23] =	ssyncadd.s32 $0xFFFFFFFF  }
0xa5: {  	s26 =	simm.s32 $execute0_lowered;
	[smem:$0x3FD2] =	sst s25  }
0xa6: {  	s5 =	sshll.u32 s26, $0x1;
	_ =	strace $0x80000046;
	[dreg:$0x1] =	wrdreg $0xFFFFFFFF  }
0xa7: {  	s28 =	simm.s32 $_size_execute0_lowered;
	s3 =	sadd.s32 s3, s5;
	[dreg:$0x0] =	wrdreg $0x0  }
0xa8: {  	s5 =	sshll.u32 s28, $0x1;
	[dreg:$0x2] =	wrdreg s3  }
0xa9: {  	[dreg:$0x3] =	wrdreg s5  }
0xaa: {  	[dreg:$0x4] =	wrdreg $0xC0  }
0xab: {  	_ =	task [dreg:s7], $0x5FFFF  }
0xac: {  	[dreg:$0x1] =	wrdreg $0xFFFFFFFF  }
0xad: {  	[dreg:$0x0] =	wrdreg $0x60  }
0xae: {  	[dreg:$0x2] =	wrdreg s24  }
0xaf: {  	[dreg:$0x3] =	wrdreg s2  }
0xb0: {  	[dreg:$0x4] =	wrdreg $0x9  }
0xb1: {  	_ =	task.clear_ibuf [dreg:s7], $0x5FFFF;
	_ =	strace $0x90000046  }
0xb2: {  	s29 =	simm.s32 $0x9;
	_ =	strace $0x80000048  }
0xb3: {  	_ =	swait.ge [sflag:s29], $0x1  }
0xb4: {  	[sflag:s29] =	ssyncadd.s32 $0xFFFFFFFF  }
0xb5: {  	_ =	strace $0x90000048  }
0xb6: {  	_ =	sfence  }
0xb7: {  	s30 =	sld [smem:$0x0];
	_ =	sdelay $0x2  }
0xb8: {  	s31 =	sshll.u32 s1, $0xD;
	s1 =	sshrl.u32 s1, $0x2  }
0xb9: {  	s3 =	sand.u32 $0x4000, s31;
	s1 =	sadd.s32 s1, s30  }
0xba: {  	s0 =	sor.u32 s3, s0;
	s1 =	sshll.u32 s1, $0x11  }
0xbb: {  	s0 =	sor.u32 s1, s0  }
0xbc: {  	s0 =	sadd.s32 $0x8F2B, s0  }
0xbd: {  	[sflag:s0] =	ssyncadd.remote.s32 $0x1  }
0xbe: {  	_ =	sfence.sel $0xFFFF  }
0xbf: {  	[dreg:$0x0] =	wrdreg $0xFFFFFFFF;
	(pc) =	sbr.abs _section_cstart, $3  }
0xc0: {  	[dreg:$0x1] =	wrdreg $0xFFFFFFFF  }
0xc1: {  	_ =	task.clear_ibuf [dreg:s7], $0x2FFFF;
	_ =	strace $0x9FFFFFFF  }
0xc2: {  	(tm) =	ssettm $0x7FFFFFFF  }
0xc3: {  	_ =	shalt  }
tec
execute0_lowered:
.L_overlay_start_1:
0x0: {  	(tag) =	ssettag $0x1  }
0x1: {  	s0 =	rddreg [dreg:$0x0];
	s1 =	srdreg.scid  }
0x2: {  	s3 =	stileid.u32;
	s2 =	rddreg [dreg:$0x1];
	s4 =	simm.s32 $0x0  }
0x3: {  	s12 =	simm.s32 $0x80;
	s15 =	simm.s32 $0x1900;
	s16 =	simm.s32 $0x3900  }
0x4: {  	s18 =	simm.s32 $0x5900;
	s20 =	simm.s32 $0x7900;
	s28 =	simm.s32 $0x2  }
0x5: {  	s29 =	simm.s32 $0x7;
	s30 =	simm.s32 $0xD900;
	s31 =	simm.s32 $0x3  }
0x6: {  	s13 =	simm.s32 $0x4;
	s17 =	simm.s32 $0x9;
	s19 =	simm.s32 $0x11900  }
0x7: {  	s6 =	simm.s32 $0x13900;
	s7 =	simm.s32 $0x0;
	s1 =	sand.u32 $0x1, s1  }
0x8: {  	s3 =	sshll.u32 s3, $0x1;
	[smem:$0x7FF] =	sst s4;
	s4 =	sadd.s32 $0xF42C00, s0  }
0x9: {  	s3 =	sor.u32 s1, s3;
	_ =	strace $0x80000047;
	s1 =	ssub.s32 $0x2, s1  }
0xa: {  	s21 =	sshll.u32 s3, $0x4;
	s22 =	sshrl.u32 s1, $0x1;
	s3 =	sshll.u32 s3, $0xA  }
0xb: {  	s5 =	sadd.s32 s21, s0;
	s0 =	ssub.s32 s1, s22;
	s24 =	sor.u32 $0x40000, s3  }
0xc: {  	s25 =	sor.u32 $0x80000, s3;
	s26 =	sor.u32 $0xC0000, s3;
	s9 =	smov.u32 s3  }
0xd: {  	s10 =	sor.u32 $0x100000, s3;
	s22 =	simm.s32 $0x9900;
	s1 =	simm.s32 $0x8  }
.Ltmp0:
0xe: {  	s21 =	simm.s32 $0x5;
	[dreg:$0x4] =	wrdreg s24;
	(pc) =	sbr.rel .LBB2_1-.Ltmp0, $4  }
0xf: {  	v0 =	vlaneseq.u32;
	s3 =	simm.s32 $0xA;
	s23 =	sadd.s32 $0x600, s5;
	[dreg:$0x5] =	wrdreg s25  }
0x10: {  	v1 =	vmul.u32 $0x81, v0;
	v2 =	vmul.u32 $0x40, v0;
	[dreg:$0x6] =	wrdreg s26;
	s0 =	smax.u32 s0, $0x1;
	s24 =	simm.s32 $0xB900  }
0x11: {  	v3 =	vor.u32 $0x10, v0;
	v5 =	vor.u32 $0x20, v0;
	v7 =	vor.u32 $0x30, v0;
	s25 =	simm.s32 $0x400;
	s26 =	simm.s32 $0x8000;
	[dreg:$0x3] =	wrdreg s23  }
0x12: {  	v4 =	vor.u32 $0x800, v1;
	v6 =	vor.u32 $0x1000, v1;
	v8 =	vor.u32 $0x1800, v1;
	[dreg:$0x7] =	wrdreg s0;
	s23 =	simm.s32 $0x1;
	s0 =	simm.s32 $0xF900  }
.LBB2_30:
0x13: {  	s5 =	simm.s32 $0x6  }
0x14: {  	_ =	swait.ge [sflag:s5], $0x2000  }
0x15: {  	[sflag:s5] =	ssyncset.done $0x0  }
0x16: {  	[sflag:s5] =	ssyncadd.s32 $0xFFFFE000  }
0x17: {  	_ =	swait.ge [sflag:s29], $0x2000  }
0x18: {  	[sflag:s29] =	ssyncset.done $0x0  }
0x19: {  	[sflag:s29] =	ssyncadd.s32 $0xFFFFE000  }
0x1a: {  	_ =	swait.ge [sflag:s1], $0x2000  }
0x1b: {  	[sflag:s1] =	ssyncset.done $0x0  }
0x1c: {  	[sflag:s1] =	ssyncadd.s32 $0xFFFFE000  }
0x1d: {  	_ =	swait.ge [sflag:s17], $0x2000  }
0x1e: {  	[sflag:s17] =	ssyncset.done $0x0  }
0x1f: {  	[sflag:s17] =	ssyncadd.s32 $0xFFFFE000  }
0x20: {  	_ =	swait.ge [sflag:s3], $0x2000  }
0x21: {  	s7 =	rddreg [dreg:$0x8]  }
0x22: {  	s14 =	rddreg [dreg:$0x7];
	s7 =	sadd.s32 $0x1, s7  }
0x23: {  	p0 =	sne.s32 s7, s14  }
.Ltmp1:
0x24: {  	_ = 	snop;
	(pc) =	sbr.rel @!p0 .LBB2_31-.Ltmp1, $3  }
0x25: {  	_ =	sdelay $0x1  }
0x26: {  	[sflag:s3] =	ssyncset.done $0x0  }
0x27: {  	[sflag:s3] =	ssyncadd.s32 $0xFFFFE000  }
.LBB2_1:
0x28: {  	[dreg:$0x8] =	wrdreg s7;
	s5 =	simm.s32 $0x0  }
0x29: {  	s11 =	rddreg [dreg:$0x3];
	s8 =	simm.s32 $0x1000;
	s14 =	simm.s32 $0xB  }
0x2a: {  	[tilespmem:s5], [sflag:$0xB] =	stream.strided.gather [hbm4b:s11+s12], $0x1900, s8, s12, $0x38;
	[tilespmem:$0x15900] =	vst v63  }
0x2b: {  	_ =	swait.ge [sflag:s14], $0x1900  }
0x2c: {  	[sflag:s14] =	ssyncset.done $0x0  }
0x2d: {  	[sflag:s14] =	ssyncadd.s32 $0xFFFFE700  }
0x2e: {  	[tilespmem:s15], [sflag:$0x1] =	stream.indirect.gather [hbm4b:s4+s12], $0x40, s5, s12, $0xb8;
	[tilespmem:$0x15900] =	vst v63  }
0x2f: {  	_ = 	snop  }
0x30: {  	[tilespmem:s16], [sflag:$0x2] =	stream.indirect.gather [hbm4b:s4+s12], $0x40, s12, s12, $0xb8;
	[tilespmem:$0x15900] =	vst v63  }
0x31: {  	s8 =	simm.s32 $0x100  }
0x32: {  	[tilespmem:s18], [sflag:$0x3] =	stream.indirect.gather [hbm4b:s4+s12], $0x40, s8, s12, $0xb8;
	[tilespmem:$0x15900] =	vst v63  }
0x33: {  	s11 =	simm.s32 $0x180  }
0x34: {  	[tilespmem:s20], [sflag:$0x4] =	stream.indirect.gather [hbm4b:s4+s12], $0x40, s11, s12, $0xb8;
	[tilespmem:$0x15900] =	vst v63  }
0x35: {  	s14 =	simm.s32 $0x200;
	s11 =	simm.s32 $0x0  }
0x36: {  	[tilespmem:s22], [sflag:$0x5] =	stream.indirect.gather [hbm4b:s4+s12], $0x40, s14, s12, $0xb8;
	[tilespmem:$0x15900] =	vst v63  }
.LBB2_2:
0x37: {  	_ =	swait.ge [sflag:s23], $0x2000  }
0x38: {  	p0 =	seq.s32 s11, $0x0;
	[sflag:s23] =	ssyncset.done $0x0  }
0x39: {  	s5 =	simm.s32 @!p0 $0x6;
	[sflag:s23] =	ssyncadd.s32 $0xFFFFE000  }
0x3a: {  	_ =	swait.ge @!p0 [sflag:s5], $0x2000  }
0x3b: {  	[sflag:s5] =	ssyncset.done @!p0 $0x0  }
0x3c: {  	s14 =	simm.s32 $0x0;
	p1 =	por $0x1, $0x1;
	[sflag:s5] =	ssyncadd.s32 @!p0 $0xFFFFE000  }
.LBB2_3:
0x3d: {  	v9 =	vmov s14  }
0x3e: {  	v9 =	vshll.u32 v9, $0x6  }
0x3f: {  	v9 =	vor.u32 v2, v9  }
0x40: {  	v10 =	vor.u32 v0, v9;
	_ =	sdelay $0x4  }
0x41: {  	v11 =	vor.u32 s14, v1;
	v10 =	vld.idx.msk [tilespmem:v10+s15+$0x0], $0xffff  }
0x42: {  	v12 =	vor.u32 v3, v9;
	_ =	sdelay $0x3  }
0x43: {  	[tilespmem:v11+s24+$0x0] =	vst.idx.msk $0xffff, v10  }
0x44: {  	v11 =	vor.u32 s14, v4;
	v10 =	vld.idx.msk [tilespmem:v12+s15+$0x0], $0xffff  }
0x45: {  	v51 =	vor.u32 v5, v9;
	_ =	sdelay $0x3  }
0x46: {  	[tilespmem:v11+s24+$0x0] =	vst.idx.msk $0xffff, v10  }
0x47: {  	v11 =	vor.u32 s14, v6;
	v10 =	vld.idx.msk [tilespmem:v51+s15+$0x0], $0xffff  }
0x48: {  	v9 =	vor.u32 v7, v9;
	_ =	sdelay $0x1  }
0x49: {  	s5 =	sor.u32 $0x10, s14  }
0x4a: {  	v52 =	vmov s5  }
0x4b: {  	[tilespmem:v11+s24+$0x0] =	vst.idx.msk $0xffff, v10;
	v10 =	vshll.u32 v52, $0x6  }
0x4c: {  	v11 =	vor.u32 s14, v8;
	v9 =	vld.idx.msk [tilespmem:v9+s15+$0x0], $0xffff;
	v10 =	vor.u32 v2, v10  }
0x4d: {  	v53 =	vor.u32 v0, v10;
	_ =	sdelay $0x3  }
0x4e: {  	[tilespmem:v11+s24+$0x0] =	vst.idx.msk $0xffff, v9  }
0x4f: {  	v11 =	vor.u32 s5, v1;
	v9 =	vld.idx.msk [tilespmem:v53+s15+$0x0], $0xffff  }
0x50: {  	v54 =	vor.u32 v3, v10;
	_ =	sdelay $0x3  }
0x51: {  	[tilespmem:v11+s24+$0x0] =	vst.idx.msk $0xffff, v9  }
0x52: {  	v11 =	vor.u32 s5, v4;
	v9 =	vld.idx.msk [tilespmem:v54+s15+$0x0], $0xffff  }
0x53: {  	v55 =	vor.u32 v5, v10;
	_ =	sdelay $0x3  }
0x54: {  	[tilespmem:v11+s24+$0x0] =	vst.idx.msk $0xffff, v9  }
0x55: {  	v11 =	vor.u32 s5, v6;
	v9 =	vld.idx.msk [tilespmem:v55+s15+$0x0], $0xffff  }
0x56: {  	v10 =	vor.u32 v7, v10;
	_ =	sdelay $0x1  }
0x57: {  	s7 =	sor.u32 $0x20, s14  }
0x58: {  	v56 =	vmov s7  }
0x59: {  	[tilespmem:v11+s24+$0x0] =	vst.idx.msk $0xffff, v9;
	v9 =	vshll.u32 v56, $0x6  }
0x5a: {  	v11 =	vor.u32 s5, v8;
	v10 =	vld.idx.msk [tilespmem:v10+s15+$0x0], $0xffff;
	v9 =	vor.u32 v2, v9  }
0x5b: {  	v57 =	vor.u32 v0, v9;
	_ =	sdelay $0x3  }
0x5c: {  	[tilespmem:v11+s24+$0x0] =	vst.idx.msk $0xffff, v10  }
0x5d: {  	v11 =	vor.u32 s7, v1;
	v10 =	vld.idx.msk [tilespmem:v57+s15+$0x0], $0xffff  }
0x5e: {  	v58 =	vor.u32 v3, v9;
	_ =	sdelay $0x3  }
0x5f: {  	[tilespmem:v11+s24+$0x0] =	vst.idx.msk $0xffff, v10  }
0x60: {  	v11 =	vor.u32 s7, v4;
	v10 =	vld.idx.msk [tilespmem:v58+s15+$0x0], $0xffff  }
0x61: {  	v59 =	vor.u32 v5, v9;
	_ =	sdelay $0x3  }
0x62: {  	[tilespmem:v11+s24+$0x0] =	vst.idx.msk $0xffff, v10  }
0x63: {  	v11 =	vor.u32 s7, v6;
	v10 =	vld.idx.msk [tilespmem:v59+s15+$0x0], $0xffff  }
0x64: {  	v9 =	vor.u32 v7, v9;
	_ =	sdelay $0x1  }
0x65: {  	s14 =	sor.u32 $0x30, s14  }
0x66: {  	v60 =	vmov s14  }
0x67: {  	[tilespmem:v11+s24+$0x0] =	vst.idx.msk $0xffff, v10;
	v10 =	vshll.u32 v60, $0x6  }
0x68: {  	v11 =	vor.u32 s7, v8;
	v9 =	vld.idx.msk [tilespmem:v9+s15+$0x0], $0xffff;
	v10 =	vor.u32 v2, v10  }
0x69: {  	v61 =	vor.u32 v0, v10;
	_ =	sdelay $0x3  }
0x6a: {  	[tilespmem:v11+s24+$0x0] =	vst.idx.msk $0xffff, v9  }
0x6b: {  	v11 =	vor.u32 s14, v1;
	v9 =	vld.idx.msk [tilespmem:v61+s15+$0x0], $0xffff  }
0x6c: {  	v62 =	vor.u32 v3, v10;
	_ =	sdelay $0x3  }
0x6d: {  	[tilespmem:v11+s24+$0x0] =	vst.idx.msk $0xffff, v9  }
0x6e: {  	v11 =	vor.u32 s14, v4;
	v9 =	vld.idx.msk [tilespmem:v62+s15+$0x0], $0xffff  }
0x6f: {  	v63 =	vor.u32 v5, v10;
	_ =	sdelay $0x3  }
0x70: {  	[tilespmem:v11+s24+$0x0] =	vst.idx.msk $0xffff, v9  }
0x71: {  	v11 =	vor.u32 s14, v6;
	v9 =	vld.idx.msk [tilespmem:v63+s15+$0x0], $0xffff  }
0x72: {  	v10 =	vor.u32 v7, v10;
	_ =	sdelay $0x3  }
0x73: {  	[tilespmem:v11+s24+$0x0] =	vst.idx.msk $0xffff, v9  }
0x74: {  	p2 =	por p1, p1;
	v9 =	vld.idx.msk [tilespmem:v10+s15+$0x0], $0xffff;
	v10 =	vor.u32 s14, v8  }
.Ltmp2:
0x75: {  	_ = 	snop;
	(pc) =	sbr.rel @p2 .LBB2_3-.Ltmp2, $2  }
0x76: {  	_ =	sdelay $0x2  }
0x77: {  	p1 =	por $0x0, $0x0;
	s14 =	simm.s32 $0x40;
	[tilespmem:v10+s24+$0x0] =	vst.idx.msk $0xffff, v9  }
0x78: {  	s14 =	smul.u32 $0x140000, s11;
	p1 =	sne.s32 s11, $0x9  }
.Ltmp3:
0x79: {  	_ = 	snop;
	(pc) =	sbr.rel @p1 .LBB2_6-.Ltmp3, $4  }
0x7a: {  	s5 =	sor.u32 s9, s14  }
0x7b: {  	s5 =	sshrl.u32 s5, $0x3  }
0x7c: {  	s5 =	sadd.s32 s2, s5  }
0x7d: {  	[hbm4b:s5+s25] =	stream.strided.scatter [tilespmem:s24], [sflag:$0x6], $0x2000, s26, s25, $0x38;
	[tilespmem:$0x15900] =	vst v63  }
.Ltmp4:
0x7e: {  	(pc) =	sbr.rel .LBB2_7-.Ltmp4, $4  }
0x7f: {  	_ = 	snop  }
0x80: {  	_ =	swait.ge [sflag:s28], $0x2000  }
0x81: {  	[sflag:s28] =	ssyncset.done $0x0  }
0x82: {  	[sflag:s28] =	ssyncadd.s32 $0xFFFFE000  }
.LBB2_6:
0x83: {  	s5 =	smul.u32 $0xA00, s11;
	_ =	sdelay $0x1  }
0x84: {  	s5 =	sshra.s32 s5, $0x2  }
.Ltmp5:
0x85: {  	s5 =	sadd.s32 $0x280, s5;
	(pc) =	sbr.rel @p0 .LBB2_8-.Ltmp5, $4  }
0x86: {  	[tilespmem:s15], [sflag:$0x1] =	stream.indirect.gather [hbm4b:s4+s12], $0x40, s5, s12, $0xb8;
	[tilespmem:$0x15900] =	vst v63  }
0x87: {  	_ =	swait.ge [sflag:s28], $0x2000  }
0x88: {  	[sflag:s28] =	ssyncset.done $0x0  }
0x89: {  	[sflag:s28] =	ssyncadd.s32 $0xFFFFE000  }
.LBB2_7:
0x8a: {  	_ =	swait.ge [sflag:s29], $0x2000  }
0x8b: {  	[sflag:s29] =	ssyncset.done $0x0  }
0x8c: {  	[sflag:s29] =	ssyncadd.s32 $0xFFFFE000  }
.LBB2_8:
0x8d: {  	s5 =	simm.s32 $0x0;
	p2 =	por $0x1, $0x1  }
.LBB2_9:
0x8e: {  	v9 =	vmov s5  }
0x8f: {  	v9 =	vshll.u32 v9, $0x6  }
0x90: {  	v9 =	vor.u32 v2, v9  }
0x91: {  	v10 =	vor.u32 v0, v9;
	_ =	sdelay $0x4  }
0x92: {  	v11 =	vor.u32 s5, v1;
	v10 =	vld.idx.msk [tilespmem:v10+s16+$0x0], $0xffff  }
0x93: {  	v12 =	vor.u32 v3, v9;
	_ =	sdelay $0x3  }
0x94: {  	[tilespmem:v11+s30+$0x0] =	vst.idx.msk $0xffff, v10  }
0x95: {  	v11 =	vor.u32 s5, v4;
	v10 =	vld.idx.msk [tilespmem:v12+s16+$0x0], $0xffff  }
0x96: {  	v51 =	vor.u32 v5, v9;
	_ =	sdelay $0x3  }
0x97: {  	[tilespmem:v11+s30+$0x0] =	vst.idx.msk $0xffff, v10  }
0x98: {  	v11 =	vor.u32 s5, v6;
	v10 =	vld.idx.msk [tilespmem:v51+s16+$0x0], $0xffff  }
0x99: {  	v9 =	vor.u32 v7, v9;
	_ =	sdelay $0x1  }
0x9a: {  	s7 =	sor.u32 $0x10, s5  }
0x9b: {  	v52 =	vmov s7  }
0x9c: {  	[tilespmem:v11+s30+$0x0] =	vst.idx.msk $0xffff, v10;
	v10 =	vshll.u32 v52, $0x6  }
0x9d: {  	v11 =	vor.u32 s5, v8;
	v9 =	vld.idx.msk [tilespmem:v9+s16+$0x0], $0xffff;
	v10 =	vor.u32 v2, v10  }
0x9e: {  	v53 =	vor.u32 v0, v10;
	_ =	sdelay $0x3  }
0x9f: {  	[tilespmem:v11+s30+$0x0] =	vst.idx.msk $0xffff, v9  }
0xa0: {  	v11 =	vor.u32 s7, v1;
	v9 =	vld.idx.msk [tilespmem:v53+s16+$0x0], $0xffff  }
0xa1: {  	v54 =	vor.u32 v3, v10;
	_ =	sdelay $0x3  }
0xa2: {  	[tilespmem:v11+s30+$0x0] =	vst.idx.msk $0xffff, v9  }
0xa3: {  	v11 =	vor.u32 s7, v4;
	v9 =	vld.idx.msk [tilespmem:v54+s16+$0x0], $0xffff  }
0xa4: {  	v55 =	vor.u32 v5, v10;
	_ =	sdelay $0x3  }
0xa5: {  	[tilespmem:v11+s30+$0x0] =	vst.idx.msk $0xffff, v9  }
0xa6: {  	v11 =	vor.u32 s7, v6;
	v9 =	vld.idx.msk [tilespmem:v55+s16+$0x0], $0xffff  }
0xa7: {  	v10 =	vor.u32 v7, v10;
	_ =	sdelay $0x1  }
0xa8: {  	s8 =	sor.u32 $0x20, s5  }
0xa9: {  	v56 =	vmov s8  }
0xaa: {  	[tilespmem:v11+s30+$0x0] =	vst.idx.msk $0xffff, v9;
	v9 =	vshll.u32 v56, $0x6  }
0xab: {  	v11 =	vor.u32 s7, v8;
	v10 =	vld.idx.msk [tilespmem:v10+s16+$0x0], $0xffff;
	v9 =	vor.u32 v2, v9  }
0xac: {  	v57 =	vor.u32 v0, v9;
	_ =	sdelay $0x3  }
0xad: {  	[tilespmem:v11+s30+$0x0] =	vst.idx.msk $0xffff, v10  }
0xae: {  	v11 =	vor.u32 s8, v1;
	v10 =	vld.idx.msk [tilespmem:v57+s16+$0x0], $0xffff  }
0xaf: {  	v58 =	vor.u32 v3, v9;
	_ =	sdelay $0x3  }
0xb0: {  	[tilespmem:v11+s30+$0x0] =	vst.idx.msk $0xffff, v10  }
0xb1: {  	v11 =	vor.u32 s8, v4;
	v10 =	vld.idx.msk [tilespmem:v58+s16+$0x0], $0xffff  }
0xb2: {  	v59 =	vor.u32 v5, v9;
	_ =	sdelay $0x3  }
0xb3: {  	[tilespmem:v11+s30+$0x0] =	vst.idx.msk $0xffff, v10  }
0xb4: {  	v11 =	vor.u32 s8, v6;
	v10 =	vld.idx.msk [tilespmem:v59+s16+$0x0], $0xffff  }
0xb5: {  	v9 =	vor.u32 v7, v9;
	_ =	sdelay $0x1  }
0xb6: {  	s7 =	sor.u32 $0x30, s5  }
0xb7: {  	v60 =	vmov s7  }
0xb8: {  	[tilespmem:v11+s30+$0x0] =	vst.idx.msk $0xffff, v10;
	v10 =	vshll.u32 v60, $0x6  }
0xb9: {  	v11 =	vor.u32 s8, v8;
	v9 =	vld.idx.msk [tilespmem:v9+s16+$0x0], $0xffff;
	v10 =	vor.u32 v2, v10  }
0xba: {  	v61 =	vor.u32 v0, v10;
	_ =	sdelay $0x3  }
0xbb: {  	[tilespmem:v11+s30+$0x0] =	vst.idx.msk $0xffff, v9  }
0xbc: {  	v11 =	vor.u32 s7, v1;
	v9 =	vld.idx.msk [tilespmem:v61+s16+$0x0], $0xffff  }
0xbd: {  	v62 =	vor.u32 v3, v10;
	_ =	sdelay $0x3  }
0xbe: {  	[tilespmem:v11+s30+$0x0] =	vst.idx.msk $0xffff, v9  }
0xbf: {  	v11 =	vor.u32 s7, v4;
	v9 =	vld.idx.msk [tilespmem:v62+s16+$0x0], $0xffff  }
0xc0: {  	v63 =	vor.u32 v5, v10;
	_ =	sdelay $0x3  }
0xc1: {  	[tilespmem:v11+s30+$0x0] =	vst.idx.msk $0xffff, v9  }
0xc2: {  	v11 =	vor.u32 s7, v6;
	v9 =	vld.idx.msk [tilespmem:v63+s16+$0x0], $0xffff  }
0xc3: {  	v10 =	vor.u32 v7, v10;
	_ =	sdelay $0x3  }
0xc4: {  	[tilespmem:v11+s30+$0x0] =	vst.idx.msk $0xffff, v9  }
0xc5: {  	p3 =	por p2, p2;
	v9 =	vld.idx.msk [tilespmem:v10+s16+$0x0], $0xffff;
	v10 =	vor.u32 s7, v8  }
.Ltmp6:
0xc6: {  	_ = 	snop;
	(pc) =	sbr.rel @p3 .LBB2_9-.Ltmp6, $2  }
0xc7: {  	_ =	sdelay $0x2  }
0xc8: {  	p2 =	por $0x0, $0x0;
	s5 =	simm.s32 $0x40;
	[tilespmem:v10+s30+$0x0] =	vst.idx.msk $0xffff, v9  }
.Ltmp7:
0xc9: {  	s5 =	rddreg [dreg:$0x4];
	(pc) =	sbr.rel @p1 .LBB2_12-.Ltmp7, $4  }
0xca: {  	s5 =	sadd.s32 s5, s14  }
0xcb: {  	s5 =	sshrl.u32 s5, $0x3  }
0xcc: {  	s5 =	sadd.s32 s2, s5  }
0xcd: {  	[hbm4b:s5+s25] =	stream.strided.scatter [tilespmem:s30], [sflag:$0x7], $0x2000, s26, s25, $0x38;
	[tilespmem:$0x15900] =	vst v63  }
.Ltmp8:
0xce: {  	(pc) =	sbr.rel .LBB2_13-.Ltmp8, $4  }
0xcf: {  	_ = 	snop  }
0xd0: {  	_ =	swait.ge [sflag:s31], $0x2000  }
0xd1: {  	[sflag:s31] =	ssyncset.done $0x0  }
0xd2: {  	[sflag:s31] =	ssyncadd.s32 $0xFFFFE000  }
.LBB2_12:
0xd3: {  	s5 =	smul.u32 $0xA00, s11;
	_ =	sdelay $0x1  }
0xd4: {  	s5 =	sshra.s32 s5, $0x2  }
.Ltmp9:
0xd5: {  	s5 =	sadd.s32 $0x300, s5;
	(pc) =	sbr.rel @p0 .LBB2_14-.Ltmp9, $4  }
0xd6: {  	[tilespmem:s16], [sflag:$0x2] =	stream.indirect.gather [hbm4b:s4+s12], $0x40, s5, s12, $0xb8;
	[tilespmem:$0x15900] =	vst v63  }
0xd7: {  	_ =	swait.ge [sflag:s31], $0x2000  }
0xd8: {  	[sflag:s31] =	ssyncset.done $0x0  }
0xd9: {  	[sflag:s31] =	ssyncadd.s32 $0xFFFFE000  }
.LBB2_13:
0xda: {  	_ =	swait.ge [sflag:s1], $0x2000  }
0xdb: {  	[sflag:s1] =	ssyncset.done $0x0  }
0xdc: {  	[sflag:s1] =	ssyncadd.s32 $0xFFFFE000  }
.LBB2_14:
0xdd: {  	s5 =	simm.s32 $0x0;
	p2 =	por $0x1, $0x1  }
.LBB2_15:
0xde: {  	v9 =	vmov s5  }
0xdf: {  	v9 =	vshll.u32 v9, $0x6  }
0xe0: {  	v9 =	vor.u32 v2, v9  }
0xe1: {  	v10 =	vor.u32 v0, v9;
	_ =	sdelay $0x4  }
0xe2: {  	v11 =	vor.u32 s5, v1;
	v10 =	vld.idx.msk [tilespmem:v10+s18+$0x0], $0xffff  }
0xe3: {  	v12 =	vor.u32 v3, v9;
	_ =	sdelay $0x3  }
0xe4: {  	[tilespmem:v11+s0+$0x0] =	vst.idx.msk $0xffff, v10  }
0xe5: {  	v11 =	vor.u32 s5, v4;
	v10 =	vld.idx.msk [tilespmem:v12+s18+$0x0], $0xffff  }
0xe6: {  	v51 =	vor.u32 v5, v9;
	_ =	sdelay $0x3  }
0xe7: {  	[tilespmem:v11+s0+$0x0] =	vst.idx.msk $0xffff, v10  }
0xe8: {  	v11 =	vor.u32 s5, v6;
	v10 =	vld.idx.msk [tilespmem:v51+s18+$0x0], $0xffff  }
0xe9: {  	v9 =	vor.u32 v7, v9;
	_ =	sdelay $0x1  }
0xea: {  	s7 =	sor.u32 $0x10, s5  }
0xeb: {  	v52 =	vmov s7  }
0xec: {  	[tilespmem:v11+s0+$0x0] =	vst.idx.msk $0xffff, v10;
	v10 =	vshll.u32 v52, $0x6  }
0xed: {  	v11 =	vor.u32 s5, v8;
	v9 =	vld.idx.msk [tilespmem:v9+s18+$0x0], $0xffff;
	v10 =	vor.u32 v2, v10  }
0xee: {  	v53 =	vor.u32 v0, v10;
	_ =	sdelay $0x3  }
0xef: {  	[tilespmem:v11+s0+$0x0] =	vst.idx.msk $0xffff, v9  }
0xf0: {  	v11 =	vor.u32 s7, v1;
	v9 =	vld.idx.msk [tilespmem:v53+s18+$0x0], $0xffff  }
0xf1: {  	v54 =	vor.u32 v3, v10;
	_ =	sdelay $0x3  }
0xf2: {  	[tilespmem:v11+s0+$0x0] =	vst.idx.msk $0xffff, v9  }
0xf3: {  	v11 =	vor.u32 s7, v4;
	v9 =	vld.idx.msk [tilespmem:v54+s18+$0x0], $0xffff  }
0xf4: {  	v55 =	vor.u32 v5, v10;
	_ =	sdelay $0x3  }
0xf5: {  	[tilespmem:v11+s0+$0x0] =	vst.idx.msk $0xffff, v9  }
0xf6: {  	v11 =	vor.u32 s7, v6;
	v9 =	vld.idx.msk [tilespmem:v55+s18+$0x0], $0xffff  }
0xf7: {  	v10 =	vor.u32 v7, v10;
	_ =	sdelay $0x1  }
0xf8: {  	s8 =	sor.u32 $0x20, s5  }
0xf9: {  	v56 =	vmov s8  }
0xfa: {  	[tilespmem:v11+s0+$0x0] =	vst.idx.msk $0xffff, v9;
	v9 =	vshll.u32 v56, $0x6  }
0xfb: {  	v11 =	vor.u32 s7, v8;
	v10 =	vld.idx.msk [tilespmem:v10+s18+$0x0], $0xffff;
	v9 =	vor.u32 v2, v9  }
0xfc: {  	v57 =	vor.u32 v0, v9;
	_ =	sdelay $0x3  }
0xfd: {  	[tilespmem:v11+s0+$0x0] =	vst.idx.msk $0xffff, v10  }
0xfe: {  	v11 =	vor.u32 s8, v1;
	v10 =	vld.idx.msk [tilespmem:v57+s18+$0x0], $0xffff  }
0xff: {  	v58 =	vor.u32 v3, v9;
	_ =	sdelay $0x3  }
0x100: {  	[tilespmem:v11+s0+$0x0] =	vst.idx.msk $0xffff, v10  }
0x101: {  	v11 =	vor.u32 s8, v4;
	v10 =	vld.idx.msk [tilespmem:v58+s18+$0x0], $0xffff  }
0x102: {  	v59 =	vor.u32 v5, v9;
	_ =	sdelay $0x3  }
0x103: {  	[tilespmem:v11+s0+$0x0] =	vst.idx.msk $0xffff, v10  }
0x104: {  	v11 =	vor.u32 s8, v6;
	v10 =	vld.idx.msk [tilespmem:v59+s18+$0x0], $0xffff  }
0x105: {  	v9 =	vor.u32 v7, v9;
	_ =	sdelay $0x1  }
0x106: {  	s7 =	sor.u32 $0x30, s5  }
0x107: {  	v60 =	vmov s7  }
0x108: {  	[tilespmem:v11+s0+$0x0] =	vst.idx.msk $0xffff, v10;
	v10 =	vshll.u32 v60, $0x6  }
0x109: {  	v11 =	vor.u32 s8, v8;
	v9 =	vld.idx.msk [tilespmem:v9+s18+$0x0], $0xffff;
	v10 =	vor.u32 v2, v10  }
0x10a: {  	v61 =	vor.u32 v0, v10;
	_ =	sdelay $0x3  }
0x10b: {  	[tilespmem:v11+s0+$0x0] =	vst.idx.msk $0xffff, v9  }
0x10c: {  	v11 =	vor.u32 s7, v1;
	v9 =	vld.idx.msk [tilespmem:v61+s18+$0x0], $0xffff  }
0x10d: {  	v62 =	vor.u32 v3, v10;
	_ =	sdelay $0x3  }
0x10e: {  	[tilespmem:v11+s0+$0x0] =	vst.idx.msk $0xffff, v9  }
0x10f: {  	v11 =	vor.u32 s7, v4;
	v9 =	vld.idx.msk [tilespmem:v62+s18+$0x0], $0xffff  }
0x110: {  	v63 =	vor.u32 v5, v10;
	_ =	sdelay $0x3  }
0x111: {  	[tilespmem:v11+s0+$0x0] =	vst.idx.msk $0xffff, v9  }
0x112: {  	v11 =	vor.u32 s7, v6;
	v9 =	vld.idx.msk [tilespmem:v63+s18+$0x0], $0xffff  }
0x113: {  	v10 =	vor.u32 v7, v10;
	_ =	sdelay $0x3  }
0x114: {  	[tilespmem:v11+s0+$0x0] =	vst.idx.msk $0xffff, v9  }
0x115: {  	p3 =	por p2, p2;
	v9 =	vld.idx.msk [tilespmem:v10+s18+$0x0], $0xffff;
	v10 =	vor.u32 s7, v8  }
.Ltmp10:
0x116: {  	_ = 	snop;
	(pc) =	sbr.rel @p3 .LBB2_15-.Ltmp10, $2  }
0x117: {  	_ =	sdelay $0x2  }
0x118: {  	p2 =	por $0x0, $0x0;
	s5 =	simm.s32 $0x40;
	[tilespmem:v10+s0+$0x0] =	vst.idx.msk $0xffff, v9  }
.Ltmp11:
0x119: {  	s5 =	rddreg [dreg:$0x5];
	(pc) =	sbr.rel @p1 .LBB2_18-.Ltmp11, $4  }
0x11a: {  	s5 =	sadd.s32 s5, s14  }
0x11b: {  	s5 =	sshrl.u32 s5, $0x3  }
0x11c: {  	s5 =	sadd.s32 s2, s5  }
0x11d: {  	[hbm4b:s5+s25] =	stream.strided.scatter [tilespmem:s0], [sflag:$0x8], $0x2000, s26, s25, $0x38;
	[tilespmem:$0x15900] =	vst v63  }
.Ltmp12:
0x11e: {  	(pc) =	sbr.rel .LBB2_19-.Ltmp12, $4  }
0x11f: {  	_ = 	snop  }
0x120: {  	_ =	swait.ge [sflag:s13], $0x2000  }
0x121: {  	[sflag:s13] =	ssyncset.done $0x0  }
0x122: {  	[sflag:s13] =	ssyncadd.s32 $0xFFFFE000  }
.LBB2_18:
0x123: {  	s5 =	smul.u32 $0xA00, s11;
	_ =	sdelay $0x1  }
0x124: {  	s5 =	sshra.s32 s5, $0x2  }
.Ltmp13:
0x125: {  	s5 =	sadd.s32 $0x380, s5;
	(pc) =	sbr.rel @p0 .LBB2_20-.Ltmp13, $4  }
0x126: {  	[tilespmem:s18], [sflag:$0x3] =	stream.indirect.gather [hbm4b:s4+s12], $0x40, s5, s12, $0xb8;
	[tilespmem:$0x15900] =	vst v63  }
0x127: {  	_ =	swait.ge [sflag:s13], $0x2000  }
0x128: {  	[sflag:s13] =	ssyncset.done $0x0  }
0x129: {  	[sflag:s13] =	ssyncadd.s32 $0xFFFFE000  }
.LBB2_19:
0x12a: {  	_ =	swait.ge [sflag:s17], $0x2000  }
0x12b: {  	[sflag:s17] =	ssyncset.done $0x0  }
0x12c: {  	[sflag:s17] =	ssyncadd.s32 $0xFFFFE000  }
.LBB2_20:
0x12d: {  	s5 =	simm.s32 $0x0;
	p2 =	por $0x1, $0x1  }
.LBB2_21:
0x12e: {  	v9 =	vmov s5  }
0x12f: {  	v9 =	vshll.u32 v9, $0x6  }
0x130: {  	v9 =	vor.u32 v2, v9  }
0x131: {  	v10 =	vor.u32 v0, v9;
	_ =	sdelay $0x4  }
0x132: {  	v11 =	vor.u32 s5, v1;
	v10 =	vld.idx.msk [tilespmem:v10+s20+$0x0], $0xffff  }
0x133: {  	v12 =	vor.u32 v3, v9;
	_ =	sdelay $0x3  }
0x134: {  	[tilespmem:v11+s19+$0x0] =	vst.idx.msk $0xffff, v10  }
0x135: {  	v11 =	vor.u32 s5, v4;
	v10 =	vld.idx.msk [tilespmem:v12+s20+$0x0], $0xffff  }
0x136: {  	v51 =	vor.u32 v5, v9;
	_ =	sdelay $0x3  }
0x137: {  	[tilespmem:v11+s19+$0x0] =	vst.idx.msk $0xffff, v10  }
0x138: {  	v11 =	vor.u32 s5, v6;
	v10 =	vld.idx.msk [tilespmem:v51+s20+$0x0], $0xffff  }
0x139: {  	v9 =	vor.u32 v7, v9;
	_ =	sdelay $0x1  }
0x13a: {  	s7 =	sor.u32 $0x10, s5  }
0x13b: {  	v52 =	vmov s7  }
0x13c: {  	[tilespmem:v11+s19+$0x0] =	vst.idx.msk $0xffff, v10;
	v10 =	vshll.u32 v52, $0x6  }
0x13d: {  	v11 =	vor.u32 s5, v8;
	v9 =	vld.idx.msk [tilespmem:v9+s20+$0x0], $0xffff;
	v10 =	vor.u32 v2, v10  }
0x13e: {  	v53 =	vor.u32 v0, v10;
	_ =	sdelay $0x3  }
0x13f: {  	[tilespmem:v11+s19+$0x0] =	vst.idx.msk $0xffff, v9  }
0x140: {  	v11 =	vor.u32 s7, v1;
	v9 =	vld.idx.msk [tilespmem:v53+s20+$0x0], $0xffff  }
0x141: {  	v54 =	vor.u32 v3, v10;
	_ =	sdelay $0x3  }
0x142: {  	[tilespmem:v11+s19+$0x0] =	vst.idx.msk $0xffff, v9  }
0x143: {  	v11 =	vor.u32 s7, v4;
	v9 =	vld.idx.msk [tilespmem:v54+s20+$0x0], $0xffff  }
0x144: {  	v55 =	vor.u32 v5, v10;
	_ =	sdelay $0x3  }
0x145: {  	[tilespmem:v11+s19+$0x0] =	vst.idx.msk $0xffff, v9  }
0x146: {  	v11 =	vor.u32 s7, v6;
	v9 =	vld.idx.msk [tilespmem:v55+s20+$0x0], $0xffff  }
0x147: {  	v10 =	vor.u32 v7, v10;
	_ =	sdelay $0x1  }
0x148: {  	s8 =	sor.u32 $0x20, s5  }
0x149: {  	v56 =	vmov s8  }
0x14a: {  	[tilespmem:v11+s19+$0x0] =	vst.idx.msk $0xffff, v9;
	v9 =	vshll.u32 v56, $0x6  }
0x14b: {  	v11 =	vor.u32 s7, v8;
	v10 =	vld.idx.msk [tilespmem:v10+s20+$0x0], $0xffff;
	v9 =	vor.u32 v2, v9  }
0x14c: {  	v57 =	vor.u32 v0, v9;
	_ =	sdelay $0x3  }
0x14d: {  	[tilespmem:v11+s19+$0x0] =	vst.idx.msk $0xffff, v10  }
0x14e: {  	v11 =	vor.u32 s8, v1;
	v10 =	vld.idx.msk [tilespmem:v57+s20+$0x0], $0xffff  }
0x14f: {  	v58 =	vor.u32 v3, v9;
	_ =	sdelay $0x3  }
0x150: {  	[tilespmem:v11+s19+$0x0] =	vst.idx.msk $0xffff, v10  }
0x151: {  	v11 =	vor.u32 s8, v4;
	v10 =	vld.idx.msk [tilespmem:v58+s20+$0x0], $0xffff  }
0x152: {  	v59 =	vor.u32 v5, v9;
	_ =	sdelay $0x3  }
0x153: {  	[tilespmem:v11+s19+$0x0] =	vst.idx.msk $0xffff, v10  }
0x154: {  	v11 =	vor.u32 s8, v6;
	v10 =	vld.idx.msk [tilespmem:v59+s20+$0x0], $0xffff  }
0x155: {  	v9 =	vor.u32 v7, v9;
	_ =	sdelay $0x1  }
0x156: {  	s7 =	sor.u32 $0x30, s5  }
0x157: {  	v60 =	vmov s7  }
0x158: {  	[tilespmem:v11+s19+$0x0] =	vst.idx.msk $0xffff, v10;
	v10 =	vshll.u32 v60, $0x6  }
0x159: {  	v11 =	vor.u32 s8, v8;
	v9 =	vld.idx.msk [tilespmem:v9+s20+$0x0], $0xffff;
	v10 =	vor.u32 v2, v10  }
0x15a: {  	v61 =	vor.u32 v0, v10;
	_ =	sdelay $0x3  }
0x15b: {  	[tilespmem:v11+s19+$0x0] =	vst.idx.msk $0xffff, v9  }
0x15c: {  	v11 =	vor.u32 s7, v1;
	v9 =	vld.idx.msk [tilespmem:v61+s20+$0x0], $0xffff  }
0x15d: {  	v62 =	vor.u32 v3, v10;
	_ =	sdelay $0x3  }
0x15e: {  	[tilespmem:v11+s19+$0x0] =	vst.idx.msk $0xffff, v9  }
0x15f: {  	v11 =	vor.u32 s7, v4;
	v9 =	vld.idx.msk [tilespmem:v62+s20+$0x0], $0xffff  }
0x160: {  	v63 =	vor.u32 v5, v10;
	_ =	sdelay $0x3  }
0x161: {  	[tilespmem:v11+s19+$0x0] =	vst.idx.msk $0xffff, v9  }
0x162: {  	v11 =	vor.u32 s7, v6;
	v9 =	vld.idx.msk [tilespmem:v63+s20+$0x0], $0xffff  }
0x163: {  	v10 =	vor.u32 v7, v10;
	_ =	sdelay $0x3  }
0x164: {  	[tilespmem:v11+s19+$0x0] =	vst.idx.msk $0xffff, v9  }
0x165: {  	p3 =	por p2, p2;
	v9 =	vld.idx.msk [tilespmem:v10+s20+$0x0], $0xffff;
	v10 =	vor.u32 s7, v8  }
.Ltmp14:
0x166: {  	_ = 	snop;
	(pc) =	sbr.rel @p3 .LBB2_21-.Ltmp14, $2  }
0x167: {  	_ =	sdelay $0x2  }
0x168: {  	p2 =	por $0x0, $0x0;
	s5 =	simm.s32 $0x40;
	[tilespmem:v10+s19+$0x0] =	vst.idx.msk $0xffff, v9  }
.Ltmp15:
0x169: {  	s5 =	rddreg [dreg:$0x6];
	(pc) =	sbr.rel @p1 .LBB2_24-.Ltmp15, $4  }
0x16a: {  	s5 =	sadd.s32 s5, s14  }
0x16b: {  	s5 =	sshrl.u32 s5, $0x3  }
0x16c: {  	s5 =	sadd.s32 s2, s5  }
0x16d: {  	[hbm4b:s5+s25] =	stream.strided.scatter [tilespmem:s19], [sflag:$0x9], $0x2000, s26, s25, $0x38;
	[tilespmem:$0x15900] =	vst v63  }
.Ltmp16:
0x16e: {  	(pc) =	sbr.rel .LBB2_25-.Ltmp16, $4  }
0x16f: {  	_ = 	snop  }
0x170: {  	_ =	swait.ge [sflag:s21], $0x2000  }
0x171: {  	[sflag:s21] =	ssyncset.done $0x0  }
0x172: {  	[sflag:s21] =	ssyncadd.s32 $0xFFFFE000  }
.LBB2_24:
0x173: {  	s5 =	smul.u32 $0xA00, s11;
	_ =	sdelay $0x1  }
0x174: {  	s5 =	sshra.s32 s5, $0x2  }
.Ltmp17:
0x175: {  	s5 =	sadd.s32 $0x400, s5;
	(pc) =	sbr.rel @p0 .LBB2_26-.Ltmp17, $4  }
0x176: {  	[tilespmem:s20], [sflag:$0x4] =	stream.indirect.gather [hbm4b:s4+s12], $0x40, s5, s12, $0xb8;
	[tilespmem:$0x15900] =	vst v63  }
0x177: {  	_ =	swait.ge [sflag:s21], $0x2000  }
0x178: {  	[sflag:s21] =	ssyncset.done $0x0  }
0x179: {  	[sflag:s21] =	ssyncadd.s32 $0xFFFFE000  }
.LBB2_25:
0x17a: {  	_ =	swait.ge [sflag:s3], $0x2000  }
0x17b: {  	[sflag:s3] =	ssyncset.done $0x0  }
0x17c: {  	[sflag:s3] =	ssyncadd.s32 $0xFFFFE000  }
.LBB2_26:
0x17d: {  	s5 =	simm.s32 $0x0;
	p0 =	por $0x1, $0x1  }
.LBB2_27:
0x17e: {  	v9 =	vmov s5  }
0x17f: {  	v9 =	vshll.u32 v9, $0x6  }
0x180: {  	v9 =	vor.u32 v2, v9  }
0x181: {  	v10 =	vor.u32 v0, v9;
	_ =	sdelay $0x4  }
0x182: {  	v11 =	vor.u32 s5, v1;
	v10 =	vld.idx.msk [tilespmem:v10+s22+$0x0], $0xffff  }
0x183: {  	v12 =	vor.u32 v3, v9;
	_ =	sdelay $0x3  }
0x184: {  	[tilespmem:v11+s6+$0x0] =	vst.idx.msk $0xffff, v10  }
0x185: {  	v11 =	vor.u32 s5, v4;
	v10 =	vld.idx.msk [tilespmem:v12+s22+$0x0], $0xffff  }
0x186: {  	v51 =	vor.u32 v5, v9;
	_ =	sdelay $0x3  }
0x187: {  	[tilespmem:v11+s6+$0x0] =	vst.idx.msk $0xffff, v10  }
0x188: {  	v11 =	vor.u32 s5, v6;
	v10 =	vld.idx.msk [tilespmem:v51+s22+$0x0], $0xffff  }
0x189: {  	v9 =	vor.u32 v7, v9;
	_ =	sdelay $0x1  }
0x18a: {  	s7 =	sor.u32 $0x10, s5  }
0x18b: {  	v52 =	vmov s7  }
0x18c: {  	[tilespmem:v11+s6+$0x0] =	vst.idx.msk $0xffff, v10;
	v10 =	vshll.u32 v52, $0x6  }
0x18d: {  	v11 =	vor.u32 s5, v8;
	v9 =	vld.idx.msk [tilespmem:v9+s22+$0x0], $0xffff;
	v10 =	vor.u32 v2, v10  }
0x18e: {  	v53 =	vor.u32 v0, v10;
	_ =	sdelay $0x3  }
0x18f: {  	[tilespmem:v11+s6+$0x0] =	vst.idx.msk $0xffff, v9  }
0x190: {  	v11 =	vor.u32 s7, v1;
	v9 =	vld.idx.msk [tilespmem:v53+s22+$0x0], $0xffff  }
0x191: {  	v54 =	vor.u32 v3, v10;
	_ =	sdelay $0x3  }
0x192: {  	[tilespmem:v11+s6+$0x0] =	vst.idx.msk $0xffff, v9  }
0x193: {  	v11 =	vor.u32 s7, v4;
	v9 =	vld.idx.msk [tilespmem:v54+s22+$0x0], $0xffff  }
0x194: {  	v55 =	vor.u32 v5, v10;
	_ =	sdelay $0x3  }
0x195: {  	[tilespmem:v11+s6+$0x0] =	vst.idx.msk $0xffff, v9  }
0x196: {  	v11 =	vor.u32 s7, v6;
	v9 =	vld.idx.msk [tilespmem:v55+s22+$0x0], $0xffff  }
0x197: {  	v10 =	vor.u32 v7, v10;
	_ =	sdelay $0x1  }
0x198: {  	s8 =	sor.u32 $0x20, s5  }
0x199: {  	v56 =	vmov s8  }
0x19a: {  	[tilespmem:v11+s6+$0x0] =	vst.idx.msk $0xffff, v9;
	v9 =	vshll.u32 v56, $0x6  }
0x19b: {  	v11 =	vor.u32 s7, v8;
	v10 =	vld.idx.msk [tilespmem:v10+s22+$0x0], $0xffff;
	v9 =	vor.u32 v2, v9  }
0x19c: {  	v57 =	vor.u32 v0, v9;
	_ =	sdelay $0x3  }
0x19d: {  	[tilespmem:v11+s6+$0x0] =	vst.idx.msk $0xffff, v10  }
0x19e: {  	v11 =	vor.u32 s8, v1;
	v10 =	vld.idx.msk [tilespmem:v57+s22+$0x0], $0xffff  }
0x19f: {  	v58 =	vor.u32 v3, v9;
	_ =	sdelay $0x3  }
0x1a0: {  	[tilespmem:v11+s6+$0x0] =	vst.idx.msk $0xffff, v10  }
0x1a1: {  	v11 =	vor.u32 s8, v4;
	v10 =	vld.idx.msk [tilespmem:v58+s22+$0x0], $0xffff  }
0x1a2: {  	v59 =	vor.u32 v5, v9;
	_ =	sdelay $0x3  }
0x1a3: {  	[tilespmem:v11+s6+$0x0] =	vst.idx.msk $0xffff, v10  }
0x1a4: {  	v11 =	vor.u32 s8, v6;
	v10 =	vld.idx.msk [tilespmem:v59+s22+$0x0], $0xffff  }
0x1a5: {  	v9 =	vor.u32 v7, v9;
	_ =	sdelay $0x1  }
0x1a6: {  	s7 =	sor.u32 $0x30, s5  }
0x1a7: {  	v60 =	vmov s7  }
0x1a8: {  	[tilespmem:v11+s6+$0x0] =	vst.idx.msk $0xffff, v10;
	v10 =	vshll.u32 v60, $0x6  }
0x1a9: {  	v11 =	vor.u32 s8, v8;
	v9 =	vld.idx.msk [tilespmem:v9+s22+$0x0], $0xffff;
	v10 =	vor.u32 v2, v10  }
0x1aa: {  	v61 =	vor.u32 v0, v10;
	_ =	sdelay $0x3  }
0x1ab: {  	[tilespmem:v11+s6+$0x0] =	vst.idx.msk $0xffff, v9  }
0x1ac: {  	v11 =	vor.u32 s7, v1;
	v9 =	vld.idx.msk [tilespmem:v61+s22+$0x0], $0xffff  }
0x1ad: {  	v62 =	vor.u32 v3, v10;
	_ =	sdelay $0x3  }
0x1ae: {  	[tilespmem:v11+s6+$0x0] =	vst.idx.msk $0xffff, v9  }
0x1af: {  	v11 =	vor.u32 s7, v4;
	v9 =	vld.idx.msk [tilespmem:v62+s22+$0x0], $0xffff  }
0x1b0: {  	v63 =	vor.u32 v5, v10;
	_ =	sdelay $0x3  }
0x1b1: {  	[tilespmem:v11+s6+$0x0] =	vst.idx.msk $0xffff, v9  }
0x1b2: {  	v11 =	vor.u32 s7, v6;
	v9 =	vld.idx.msk [tilespmem:v63+s22+$0x0], $0xffff  }
0x1b3: {  	v10 =	vor.u32 v7, v10;
	_ =	sdelay $0x3  }
0x1b4: {  	[tilespmem:v11+s6+$0x0] =	vst.idx.msk $0xffff, v9  }
0x1b5: {  	p1 =	por p0, p0;
	v9 =	vld.idx.msk [tilespmem:v10+s22+$0x0], $0xffff;
	v10 =	vor.u32 s7, v8  }
.Ltmp18:
0x1b6: {  	_ = 	snop;
	(pc) =	sbr.rel @p1 .LBB2_27-.Ltmp18, $2  }
0x1b7: {  	_ =	sdelay $0x2  }
0x1b8: {  	p0 =	por $0x0, $0x0;
	s5 =	simm.s32 $0x40;
	[tilespmem:v10+s6+$0x0] =	vst.idx.msk $0xffff, v9  }
0x1b9: {  	p0 =	seq.s32 s11, $0x9  }
.Ltmp19:
0x1ba: {  	_ = 	snop;
	(pc) =	sbr.rel @p0 .LBB2_30-.Ltmp19, $4  }
0x1bb: {  	s5 =	sadd.s32 s10, s14  }
0x1bc: {  	s5 =	sshrl.u32 s5, $0x3  }
0x1bd: {  	s5 =	sadd.s32 s2, s5  }
0x1be: {  	[hbm4b:s5+s25] =	stream.strided.scatter [tilespmem:s6], [sflag:$0xA], $0x2000, s26, s25, $0x38;
	[tilespmem:$0x15900] =	vst v63  }
0x1bf: {  	s5 =	smul.u32 $0xA00, s11  }
.Ltmp20:
0x1c0: {  	_ = 	snop;
	(pc) =	sbr.rel .LBB2_2-.Ltmp20, $4  }
0x1c1: {  	_ = 	snop  }
0x1c2: {  	s5 =	sshra.s32 s5, $0x2  }
0x1c3: {  	s11 =	sadd.s32 $0x1, s11;
	s5 =	sadd.s32 $0x480, s5  }
0x1c4: {  	[tilespmem:s22], [sflag:$0x5] =	stream.indirect.gather [hbm4b:s4+s12], $0x40, s5, s12, $0xb8;
	[tilespmem:$0x15900] =	vst v63  }
.LBB2_31:
0x1c5: {  	_ =	sfence.sel $0x180000  }
0x1c6: {  	[bflag:$0x0] =	sbarrier.arrive $0xFFFF  }
0x1c7: {  	_ =	strace $0x90000047  }
0x1c8: {  	s0 =	stileid.u32;
	[bflag:$0x2] =	sbarrier.arrive $0xFFFF  }
0x1c9: {  	p0 =	sne.s32 s0, $0x0;
	s0 =	rddreg [dreg:$0x2]  }
0x1ca: {  	s0 =	sadd.s32 @!p0 $0x100000, s0  }
0x1cb: {  	[sflag:s0] =	ssyncadd.tile.s32 @!p0 $0x1;
	_ =	shalt  }
.Lfunc_end2:
_tile_overlayer_lowered:
.L_overlay_start_2:
0x1cc: {  	(tag) =	ssettag $0x2  }
0x1cd: {  	s0 =	rddreg [dreg:$0x0];
	s2 =	stileid.u32  }
0x1ce: {  	s1 =	rddreg [dreg:$0x1];
	p0 =	sne.s32 s2, $0x0  }
0x1cf: {  	s3 =	rddreg [dreg:$0x2];
	[bflag:$0x3] =	sbarrier.arrive $0xFFFF;
	s2 =	simm.s32 @!p0 $0x1C0B  }
0x1d0: {  	[timem:s3], [sflag:s2] =	dma.local @!p0 [hbm:s0], s1  }
0x1d1: {  	s0 =	simm.s32 @!p0 $0xB  }
0x1d2: {  	_ =	swait.ge @!p0 [sflag:s0], s1  }
0x1d3: {  	s1 =	ssub.s32 @!p0 $0x0, s1;
	[sflag:s0] =	ssyncset.done @!p0 $0x0  }
0x1d4: {  	[sflag:s0] =	ssyncadd.s32 @!p0 s1  }
0x1d5: {  	[bflag:$0x3] =	sbarrier.arrive $0xFFFF  }
0x1d6: {  	_ =	shalt  }

</sc_bundles>
